<compile_context>
chip_gen: v7x
topology: tpu7x:2x2x1
jax: 0.10.2.dev20260603
libtpu: 0.0.44.dev20260713+nightly
codegen_flags: <defaults>
</compile_context>

<pallas_src>
import functools

import jax
import jax.numpy as jnp
from jax import lax
from jax.experimental import pallas as pl
from jax.experimental.pallas import tpu as pltpu
from jax.experimental.pallas import tpu_sc as plsc

NSEG = 16384
ROWS = 128
COLS = NSEG // ROWS
NWORKERS = 32
CHUNK = 2048
LANES = 16
NBUF = 2
ROUND = NWORKERS * CHUNK


def _sc_partial_sums(indices, vals, tail_cols, tail_vals, nround):
    mesh = plsc.VectorSubcoreMesh(core_axis_name="c", subcore_axis_name="s")

    @functools.partial(
        pl.kernel,
        out_type=jax.ShapeDtypeStruct((2, ROWS, COLS), jnp.float32),
        mesh=mesh,
        scratch_types=[
            pltpu.VMEM((ROWS, COLS), jnp.float32),
            pltpu.VMEM((NBUF, CHUNK), jnp.int32),
            pltpu.VMEM((NBUF, CHUNK), jnp.float32),
            pltpu.VMEM((ROWS,), jnp.int32),
            pltpu.VMEM_SHARED((ROWS, COLS), jnp.float32),
            pltpu.SemaphoreType.DMA((NBUF,)),
        ],
        compiler_params=pltpu.CompilerParams(
            needs_layout_passes=False,
            disable_bounds_checks=True,
        ),
    )
    def sc_kernel(idx_hbm, vals_hbm, tcols_hbm, tvals_hbm, part_hbm,
                  acc_v, idx_v, val_v, ridx_v, acc_s, sem):
        cid = lax.axis_index("c")
        sid = lax.axis_index("s")
        wid = sid * 2 + cid

        def start(c, b):
            off = c * NWORKERS * CHUNK + wid * CHUNK
            pltpu.async_copy(idx_hbm.at[1, pl.ds(off, CHUNK)], idx_v.at[b],
                             sem.at[b])
            pltpu.async_copy(vals_hbm.at[pl.ds(off, CHUNK)], val_v.at[b],
                             sem.at[b])

        def start_tail(b):
            off = wid * CHUNK
            pltpu.async_copy(tcols_hbm.at[pl.ds(off, CHUNK)], idx_v.at[b],
                             sem.at[b])
            pltpu.async_copy(tvals_hbm.at[pl.ds(off, CHUNK)], val_v.at[b],
                             sem.at[b])

        def wait(b):
            pltpu.make_async_copy(vals_hbm.at[pl.ds(0, CHUNK)], idx_v.at[b],
                                  sem.at[b]).wait()
            pltpu.make_async_copy(vals_hbm.at[pl.ds(0, CHUNK)], val_v.at[b],
                                  sem.at[b]).wait()

        start(0, 0)
        start(1, 1)

        zeros = jnp.zeros((LANES,), jnp.float32)

        def zero_body(r, _):
            for u in range(COLS // LANES):
                acc_v[r, pl.ds(u * LANES, LANES)] = zeros
            return ()

        lax.fori_loop(0, ROWS, zero_body, ())

        @pl.when(sid == 0)
        def _():
            pltpu.sync_copy(acc_v, acc_s)

        def ridx_body(i, _):
            ridx_v[pl.ds(i * LANES, LANES)] = (
                lax.iota(jnp.int32, LANES) + i * LANES)
            return ()

        lax.fori_loop(0, ROWS // LANES, ridx_body, ())

        def process(b):
            @plsc.parallel_loop(0, CHUNK, LANES, unroll=8)
            def _(o):
                idx = idx_v[b, pl.ds(o, LANES)]
                v = val_v[b, pl.ds(o, LANES)]
                hi = lax.shift_right_logical(idx, 7)
                lo = lax.bitwise_and(idx, jnp.int32(COLS - 1))
                plsc.addupdate_scatter(acc_v, [hi, lo], v)

        def pair_body2(g, _):
            for b in range(NBUF):
                c = g * NBUF + b
                wait(b)
                process(b)

                @pl.when(c + 2 < nround)
                def _():
                    start(c + 2, b)

                @pl.when(c + 2 == nround)
                def _():
                    start_tail(b)
            return ()

        lax.fori_loop(0, nround // NBUF, pair_body2, ())

        wait(0)
        process(0)

        plsc.subcore_barrier()
        pltpu.sync_copy(acc_v, acc_s.at[ridx_v], add=True)
        plsc.subcore_barrier()

        @pl.when(sid == 0)
        def _():
            pltpu.sync_copy(acc_s, part_hbm.at[cid])

    return sc_kernel(indices, vals, tail_cols, tail_vals)


def _tc_combine(partials):

    def body(p_ref, o_ref):
        o_ref[...] = p_ref[0] + p_ref[1]

    return pl.pallas_call(
        body,
        out_shape=jax.ShapeDtypeStruct((ROWS, COLS), jnp.float32),
    )(partials)


def kernel(indices, values):
    indices = indices.astype(jnp.int32)
    vals = values.astype(jnp.float32)
    nnz = vals.shape[0]

    nround = nnz // ROUND
    bulk = nround * ROUND
    tail = nnz - bulk

    pad = ROUND - tail
    tail_cols = jnp.pad(indices[1, bulk:], (0, pad))
    tail_vals = jnp.pad(vals[bulk:], (0, pad))

    partials = _sc_partial_sums(indices, vals, tail_cols, tail_vals, nround)
    return _tc_combine(partials).reshape(NSEG)

# --- scband reference (transcript-rebuilt; emitter-appended) ---
"""Pipeline reference for scband-pool-reduce-25503515803836 (READ-ONLY COPY).

The authoritative reference and input builder live on the scoring server;
editing this copy changes nothing except your own understanding.
"""

import jax, jax.numpy as jnp
import numpy as np

N = 16384
NNZ = 2684354

def setup_inputs(seed: int = 0) -> dict:
    key = jax.random.key(seed)
    k1, k2 = jax.random.split(key)
    indices = jax.random.randint(k1, (2, NNZ), 0, N, dtype=jnp.int64) if jax.config.jax_enable_x64 else jax.random.randint(k1, (2, NNZ), 0, N, dtype=jnp.int32)
    values = jax.random.normal(k2, (NNZ,), dtype=jnp.float32)
    return {"indices": indices, "values": values}

def reference(indices, values):
    # torch.sparse.sum(tens, dim=(0,)).to_dense() on a (N, N) COO sparse matrix:
    # summing over rows (axis=0) leaves a dense vector of length N indexed by column.
    col = indices[1]
    out = jax.ops.segment_sum(values, col, num_segments=N)
    return out

if __name__ == "__main__":
    import jax
    _d = setup_inputs()
    print(jax.jit(kernel)(*tuple(_d.values())))

</pallas_src>

<mosaic_0001>
#map = affine_map<(d0, d1) -> (0, 0)>
#map1 = affine_map<(d0, d1) -> (0)>
#map2 = affine_map<(d0, d1) -> (0, 0, 0)>
module attributes {stable_mosaic.version = 14 : i64} {
  func.func @sc_kernel(%arg0: i32, %arg1: i32, %arg2: memref<2x2684354xi32, #tpu.memory_space<hbm>>, %arg3: memref<2684354xf32, #tpu.memory_space<hbm>>, %arg4: memref<65536xi32, #tpu.memory_space<hbm>>, %arg5: memref<65536xf32, #tpu.memory_space<hbm>>, %arg6: memref<2x128x128xf32, #tpu.memory_space<hbm>>, %arg7: memref<128x128xf32, #tpu.memory_space<vmem>>, %arg8: memref<2x2048xi32, #tpu.memory_space<vmem>>, %arg9: memref<2x2048xf32, #tpu.memory_space<vmem>>, %arg10: memref<128xi32, #tpu.memory_space<vmem>>, %arg11: memref<128x128xf32, #tpu.memory_space<vmem_shared>>, %arg12: memref<2x!tpu.dma_semaphore, #tpu.memory_space<semaphore_mem>>) attributes {dimension_semantics = [#tpu.dimension_semantics<core_parallel>, #tpu.dimension_semantics<subcore_parallel>], iteration_bounds = array<i64: 2, 16>, scalar_prefetch = 0 : i64, scratch_operands = 6 : i64, tpu.core_type = #tpu.core_type<sc_vector_subcore>, window_params = [{transform_indices = #map}, {transform_indices = #map1}, {transform_indices = #map1}, {transform_indices = #map1}, {transform_indices = #map2}]} {
    %mul3A = arith.constant 2 : i32
    %mul3A_0 = arith.muli %arg1, %mul3A : i32
    %add3A = arith.addi %mul3A_0, %arg0 : i32
    %mul3A_1 = arith.constant 2048 : i32
    %mul3A_2 = arith.muli %add3A, %mul3A_1 : i32
    %add3A_3 = arith.constant 0 : i32
    %add3A_4 = arith.addi %add3A_3, %mul3A_2 : i32
    %dma_start3A = arith.constant 1 : i32
    %dma_start3A_5 = arith.constant 0 : i32
    %dma_start3A_6 = arith.constant 0 : i32
    %dma_start3A_7 = arith.constant 0 : i32
    %dma_start3A_8 = tpu.memref_slice %arg8[%dma_start3A_5, %dma_start3A_7] : memref<2x2048xi32, #tpu.memory_space<vmem>> -> memref<1x2048xi32, #tpu.memory_space<vmem>>
    %dma_start3A_9 = tpu.memref_squeeze %dma_start3A_8 : memref<1x2048xi32, #tpu.memory_space<vmem>> -> memref<2048xi32, #tpu.memory_space<vmem>>
    %dma_start3A_10 = tpu.memref_slice %arg2[%dma_start3A, %add3A_4] : memref<2x2684354xi32, #tpu.memory_space<hbm>> -> memref<1x2048xi32, #tpu.memory_space<hbm>>
    %dma_start3A_11 = tpu.memref_squeeze %dma_start3A_10 : memref<1x2048xi32, #tpu.memory_space<hbm>> -> memref<2048xi32, #tpu.memory_space<hbm>>
    %dma_start3A_12 = tpu.memref_slice %arg12[%dma_start3A_6] : memref<2x!tpu.dma_semaphore, #tpu.memory_space<semaphore_mem>> -> memref<1x!tpu.dma_semaphore, #tpu.memory_space<semaphore_mem>>
    %dma_start3A_13 = tpu.memref_squeeze %dma_start3A_12 : memref<1x!tpu.dma_semaphore, #tpu.memory_space<semaphore_mem>> -> memref<!tpu.dma_semaphore, #tpu.memory_space<semaphore_mem>>
    %dma_start3A_14 = arith.constant 0 : i32
    %dma_start3A_15 = tpu.memref_slice %arg8[%dma_start3A_5, %dma_start3A_14] : memref<2x2048xi32, #tpu.memory_space<vmem>> -> memref<1x2048xi32, #tpu.memory_space<vmem>>
    %dma_start3A_16 = tpu.memref_squeeze %dma_start3A_15 : memref<1x2048xi32, #tpu.memory_space<vmem>> -> memref<2048xi32, #tpu.memory_space<vmem>>
    %dma_start3A_17 = tpu.memref_slice %arg2[%dma_start3A, %add3A_4] : memref<2x2684354xi32, #tpu.memory_space<hbm>> -> memref<1x2048xi32, #tpu.memory_space<hbm>>
    %dma_start3A_18 = tpu.memref_squeeze %dma_start3A_17 : memref<1x2048xi32, #tpu.memory_space<hbm>> -> memref<2048xi32, #tpu.memory_space<hbm>>
    tpu.enqueue_dma source(%dma_start3A_18 : memref<2048xi32, #tpu.memory_space<hbm>>) target(%dma_start3A_16 : memref<2048xi32, #tpu.memory_space<vmem>>) target_semaphore(%dma_start3A_13 : memref<!tpu.dma_semaphore, #tpu.memory_space<semaphore_mem>>)
    %dma_start3A_19 = arith.constant 0 : i32
    %dma_start3A_20 = arith.constant 0 : i32
    %dma_start3A_21 = arith.constant 0 : i32
    %dma_start3A_22 = tpu.memref_slice %arg9[%dma_start3A_19, %dma_start3A_21] : memref<2x2048xf32, #tpu.memory_space<vmem>> -> memref<1x2048xf32, #tpu.memory_space<vmem>>
    %dma_start3A_23 = tpu.memref_squeeze %dma_start3A_22 : memref<1x2048xf32, #tpu.memory_space<vmem>> -> memref<2048xf32, #tpu.memory_space<vmem>>
    %dma_start3A_24 = tpu.memref_slice %arg3[%add3A_4] : memref<2684354xf32, #tpu.memory_space<hbm>> -> memref<2048xf32, #tpu.memory_space<hbm>>
    %dma_start3A_25 = tpu.memref_slice %arg12[%dma_start3A_20] : memref<2x!tpu.dma_semaphore, #tpu.memory_space<semaphore_mem>> -> memref<1x!tpu.dma_semaphore, #tpu.memory_space<semaphore_mem>>
    %dma_start3A_26 = tpu.memref_squeeze %dma_start3A_25 : memref<1x!tpu.dma_semaphore, #tpu.memory_space<semaphore_mem>> -> memref<!tpu.dma_semaphore, #tpu.memory_space<semaphore_mem>>
    %dma_start3A_27 = arith.constant 0 : i32
    %dma_start3A_28 = tpu.memref_slice %arg9[%dma_start3A_19, %dma_start3A_27] : memref<2x2048xf32, #tpu.memory_space<vmem>> -> memref<1x2048xf32, #tpu.memory_space<vmem>>
    %dma_start3A_29 = tpu.memref_squeeze %dma_start3A_28 : memref<1x2048xf32, #tpu.memory_space<vmem>> -> memref<2048xf32, #tpu.memory_space<vmem>>
    %dma_start3A_30 = tpu.memref_slice %arg3[%add3A_4] : memref<2684354xf32, #tpu.memory_space<hbm>> -> memref<2048xf32, #tpu.memory_space<hbm>>
    tpu.enqueue_dma source(%dma_start3A_30 : memref<2048xf32, #tpu.memory_space<hbm>>) target(%dma_start3A_29 : memref<2048xf32, #tpu.memory_space<vmem>>) target_semaphore(%dma_start3A_26 : memref<!tpu.dma_semaphore, #tpu.memory_space<semaphore_mem>>)
    %mul3A_31 = arith.constant 2048 : i32
    %mul3A_32 = arith.muli %add3A, %mul3A_31 : i32
    %add3A_33 = arith.constant 65536 : i32
    %add3A_34 = arith.addi %add3A_33, %mul3A_32 : i32
    %dma_start3A_35 = arith.constant 1 : i32
    %dma_start3A_36 = arith.constant 1 : i32
    %dma_start3A_37 = arith.constant 1 : i32
    %dma_start3A_38 = arith.constant 0 : i32
    %dma_start3A_39 = tpu.memref_slice %arg8[%dma_start3A_36, %dma_start3A_38] : memref<2x2048xi32, #tpu.memory_space<vmem>> -> memref<1x2048xi32, #tpu.memory_space<vmem>>
    %dma_start3A_40 = tpu.memref_squeeze %dma_start3A_39 : memref<1x2048xi32, #tpu.memory_space<vmem>> -> memref<2048xi32, #tpu.memory_space<vmem>>
    %dma_start3A_41 = tpu.memref_slice %arg2[%dma_start3A_35, %add3A_34] : memref<2x2684354xi32, #tpu.memory_space<hbm>> -> memref<1x2048xi32, #tpu.memory_space<hbm>>
    %dma_start3A_42 = tpu.memref_squeeze %dma_start3A_41 : memref<1x2048xi32, #tpu.memory_space<hbm>> -> memref<2048xi32, #tpu.memory_space<hbm>>
    %dma_start3A_43 = tpu.memref_slice %arg12[%dma_start3A_37] : memref<2x!tpu.dma_semaphore, #tpu.memory_space<semaphore_mem>> -> memref<1x!tpu.dma_semaphore, #tpu.memory_space<semaphore_mem>>
    %dma_start3A_44 = tpu.memref_squeeze %dma_start3A_43 : memref<1x!tpu.dma_semaphore, #tpu.memory_space<semaphore_mem>> -> memref<!tpu.dma_semaphore, #tpu.memory_space<semaphore_mem>>
    %dma_start3A_45 = arith.constant 0 : i32
    %dma_start3A_46 = tpu.memref_slice %arg8[%dma_start3A_36, %dma_start3A_45] : memref<2x2048xi32, #tpu.memory_space<vmem>> -> memref<1x2048xi32, #tpu.memory_space<vmem>>
    %dma_start3A_47 = tpu.memref_squeeze %dma_start3A_46 : memref<1x2048xi32, #tpu.memory_space<vmem>> -> memref<2048xi32, #tpu.memory_space<vmem>>
    %dma_start3A_48 = tpu.memref_slice %arg2[%dma_start3A_35, %add3A_34] : memref<2x2684354xi32, #tpu.memory_space<hbm>> -> memref<1x2048xi32, #tpu.memory_space<hbm>>
    %dma_start3A_49 = tpu.memref_squeeze %dma_start3A_48 : memref<1x2048xi32, #tpu.memory_space<hbm>> -> memref<2048xi32, #tpu.memory_space<hbm>>
    tpu.enqueue_dma source(%dma_start3A_49 : memref<2048xi32, #tpu.memory_space<hbm>>) target(%dma_start3A_47 : memref<2048xi32, #tpu.memory_space<vmem>>) target_semaphore(%dma_start3A_44 : memref<!tpu.dma_semaphore, #tpu.memory_space<semaphore_mem>>)
    %dma_start3A_50 = arith.constant 1 : i32
    %dma_start3A_51 = arith.constant 1 : i32
    %dma_start3A_52 = arith.constant 0 : i32
    %dma_start3A_53 = tpu.memref_slice %arg9[%dma_start3A_50, %dma_start3A_52] : memref<2x2048xf32, #tpu.memory_space<vmem>> -> memref<1x2048xf32, #tpu.memory_space<vmem>>
    %dma_start3A_54 = tpu.memref_squeeze %dma_start3A_53 : memref<1x2048xf32, #tpu.memory_space<vmem>> -> memref<2048xf32, #tpu.memory_space<vmem>>
    %dma_start3A_55 = tpu.memref_slice %arg3[%add3A_34] : memref<2684354xf32, #tpu.memory_space<hbm>> -> memref<2048xf32, #tpu.memory_space<hbm>>
    %dma_start3A_56 = tpu.memref_slice %arg12[%dma_start3A_51] : memref<2x!tpu.dma_semaphore, #tpu.memory_space<semaphore_mem>> -> memref<1x!tpu.dma_semaphore, #tpu.memory_space<semaphore_mem>>
    %dma_start3A_57 = tpu.memref_squeeze %dma_start3A_56 : memref<1x!tpu.dma_semaphore, #tpu.memory_space<semaphore_mem>> -> memref<!tpu.dma_semaphore, #tpu.memory_space<semaphore_mem>>
    %dma_start3A_58 = arith.constant 0 : i32
    %dma_start3A_59 = tpu.memref_slice %arg9[%dma_start3A_50, %dma_start3A_58] : memref<2x2048xf32, #tpu.memory_space<vmem>> -> memref<1x2048xf32, #tpu.memory_space<vmem>>
    %dma_start3A_60 = tpu.memref_squeeze %dma_start3A_59 : memref<1x2048xf32, #tpu.memory_space<vmem>> -> memref<2048xf32, #tpu.memory_space<vmem>>
    %dma_start3A_61 = tpu.memref_slice %arg3[%add3A_34] : memref<2684354xf32, #tpu.memory_space<hbm>> -> memref<2048xf32, #tpu.memory_space<hbm>>
    tpu.enqueue_dma source(%dma_start3A_61 : memref<2048xf32, #tpu.memory_space<hbm>>) target(%dma_start3A_60 : memref<2048xf32, #tpu.memory_space<vmem>>) target_semaphore(%dma_start3A_57 : memref<!tpu.dma_semaphore, #tpu.memory_space<semaphore_mem>>)
    %broadcast_in_dim3A = arith.constant 0.000000e+00 : f32
    %broadcast_in_dim3A_62 = vector.broadcast %broadcast_in_dim3A : f32 to vector<16xf32>
    %scan3A = arith.constant 0 : i32
    %scan3A_63 = arith.constant 128 : i32
    %scan3A_64 = arith.addi %scan3A, %scan3A_63 : i32
    %scan3A_65 = arith.constant 1 : i32
    scf.for %scan3A_114 = %scan3A to %scan3A_64 step %scan3A_65  : i32 {
      %swap3A = arith.index_cast %scan3A_114 : i32 to index
      %swap3A_115 = arith.constant 0 : index
      %swap3A_116 = tpu.vector_load %arg7[%swap3A, %swap3A_115] {strides = array<i32>} : memref<128x128xf32, #tpu.memory_space<vmem>>, vector<16xf32>,
      tpu.vector_store %arg7[%swap3A, %swap3A_115], %broadcast_in_dim3A_62 {strides = array<i32>} : memref<128x128xf32, #tpu.memory_space<vmem>>, vector<16xf32>,
      %swap3A_117 = arith.index_cast %scan3A_114 : i32 to index
      %swap3A_118 = arith.constant 16 : index
      %swap3A_119 = tpu.vector_load %arg7[%swap3A_117, %swap3A_118] {strides = array<i32>} : memref<128x128xf32, #tpu.memory_space<vmem>>, vector<16xf32>,
      tpu.vector_store %arg7[%swap3A_117, %swap3A_118], %broadcast_in_dim3A_62 {strides = array<i32>} : memref<128x128xf32, #tpu.memory_space<vmem>>, vector<16xf32>,
      %swap3A_120 = arith.index_cast %scan3A_114 : i32 to index
      %swap3A_121 = arith.constant 32 : index
      %swap3A_122 = tpu.vector_load %arg7[%swap3A_120, %swap3A_121] {strides = array<i32>} : memref<128x128xf32, #tpu.memory_space<vmem>>, vector<16xf32>,
      tpu.vector_store %arg7[%swap3A_120, %swap3A_121], %broadcast_in_dim3A_62 {strides = array<i32>} : memref<128x128xf32, #tpu.memory_space<vmem>>, vector<16xf32>,
      %swap3A_123 = arith.index_cast %scan3A_114 : i32 to index
      %swap3A_124 = arith.constant 48 : index
      %swap3A_125 = tpu.vector_load %arg7[%swap3A_123, %swap3A_124] {strides = array<i32>} : memref<128x128xf32, #tpu.memory_space<vmem>>, vector<16xf32>,
      tpu.vector_store %arg7[%swap3A_123, %swap3A_124], %broadcast_in_dim3A_62 {strides = array<i32>} : memref<128x128xf32, #tpu.memory_space<vmem>>, vector<16xf32>,
      %swap3A_126 = arith.index_cast %scan3A_114 : i32 to index
      %swap3A_127 = arith.constant 64 : index
      %swap3A_128 = tpu.vector_load %arg7[%swap3A_126, %swap3A_127] {strides = array<i32>} : memref<128x128xf32, #tpu.memory_space<vmem>>, vector<16xf32>,
      tpu.vector_store %arg7[%swap3A_126, %swap3A_127], %broadcast_in_dim3A_62 {strides = array<i32>} : memref<128x128xf32, #tpu.memory_space<vmem>>, vector<16xf32>,
      %swap3A_129 = arith.index_cast %scan3A_114 : i32 to index
      %swap3A_130 = arith.constant 80 : index
      %swap3A_131 = tpu.vector_load %arg7[%swap3A_129, %swap3A_130] {strides = array<i32>} : memref<128x128xf32, #tpu.memory_space<vmem>>, vector<16xf32>,
      tpu.vector_store %arg7[%swap3A_129, %swap3A_130], %broadcast_in_dim3A_62 {strides = array<i32>} : memref<128x128xf32, #tpu.memory_space<vmem>>, vector<16xf32>,
      %swap3A_132 = arith.index_cast %scan3A_114 : i32 to index
      %swap3A_133 = arith.constant 96 : index
      %swap3A_134 = tpu.vector_load %arg7[%swap3A_132, %swap3A_133] {strides = array<i32>} : memref<128x128xf32, #tpu.memory_space<vmem>>, vector<16xf32>,
      tpu.vector_store %arg7[%swap3A_132, %swap3A_133], %broadcast_in_dim3A_62 {strides = array<i32>} : memref<128x128xf32, #tpu.memory_space<vmem>>, vector<16xf32>,
      %swap3A_135 = arith.index_cast %scan3A_114 : i32 to index
      %swap3A_136 = arith.constant 112 : index
      %swap3A_137 = tpu.vector_load %arg7[%swap3A_135, %swap3A_136] {strides = array<i32>} : memref<128x128xf32, #tpu.memory_space<vmem>>, vector<16xf32>,
      tpu.vector_store %arg7[%swap3A_135, %swap3A_136], %broadcast_in_dim3A_62 {strides = array<i32>} : memref<128x128xf32, #tpu.memory_space<vmem>>, vector<16xf32>,
    }
    %scan3A_66 = arith.constant 128 : i32
    %eq3A = arith.constant 0 : i32
    %eq3A_67 = arith.cmpi eq, %arg1, %eq3A : i32
    %convert_element_type3A = arith.extui %eq3A_67 : i1 to i32
    %cond3A = arith.constant 0 : i32
    %cond3A_68 = arith.cmpi ne, %convert_element_type3A, %cond3A : i32
    scf.if %cond3A_68 {
      "tpu.region"() ({
        %run_scoped3A = tpu.sem_alloc : memref<!tpu.dma_semaphore, #tpu.memory_space<semaphore_mem>>
        tpu.enqueue_dma source(%arg7 : memref<128x128xf32, #tpu.memory_space<vmem>>) target(%arg11 : memref<128x128xf32, #tpu.memory_space<vmem_shared>>) target_semaphore(%run_scoped3A : memref<!tpu.dma_semaphore, #tpu.memory_space<semaphore_mem>>)
        tpu.wait_dma2 semaphore(%run_scoped3A : memref<!tpu.dma_semaphore, #tpu.memory_space<semaphore_mem>>) src(%arg7 : memref<128x128xf32, #tpu.memory_space<vmem>>) dst(%arg11 : memref<128x128xf32, #tpu.memory_space<vmem_shared>>)
        tpu.yield
      }) : () -> ()
    } else {
    }
    %scan3A_69 = arith.constant 0 : i32
    %scan3A_70 = arith.constant 8 : i32
    %scan3A_71 = arith.addi %scan3A_69, %scan3A_70 : i32
    %scan3A_72 = arith.constant 1 : i32
    scf.for %scan3A_114 = %scan3A_69 to %scan3A_71 step %scan3A_72  : i32 {
      %iota3A = tpu.iota {dimensions = array<i32: 0>} : vector<16xi32>
      %mul3A_115 = arith.constant 16 : i32
      %mul3A_116 = arith.muli %scan3A_114, %mul3A_115 : i32
      %add3A_117 = vector.broadcast %mul3A_116 : i32 to vector<16xi32>
      %add3A_118 = arith.addi %iota3A, %add3A_117 : vector<16xi32>
      %mul3A_119 = arith.constant 16 : i32
      %mul3A_120 = arith.muli %scan3A_114, %mul3A_119 : i32
      %swap3A = arith.index_cast %mul3A_120 : i32 to index
      %swap3A_121 = tpu.vector_load %arg10[%swap3A] {strides = array<i32>} : memref<128xi32, #tpu.memory_space<vmem>>, vector<16xi32>,
      tpu.vector_store %arg10[%swap3A], %add3A_118 {strides = array<i32>} : memref<128xi32, #tpu.memory_space<vmem>>, vector<16xi32>,
    }
    %scan3A_73 = arith.constant 8 : i32
    %scan3A_74 = arith.constant 0 : i32
    %scan3A_75 = arith.constant 20 : i32
    %scan3A_76 = arith.addi %scan3A_74, %scan3A_75 : i32
    %scan3A_77 = arith.constant 1 : i32
    scf.for %scan3A_114 = %scan3A_74 to %scan3A_76 step %scan3A_77  : i32 {
      %mul3A_115 = arith.constant 2 : i32
      %mul3A_116 = arith.muli %scan3A_114, %mul3A_115 : i32
      %add3A_117 = arith.constant 0 : i32
      %add3A_118 = arith.addi %mul3A_116, %add3A_117 : i32
      %dma_wait3A_119 = arith.constant 0 : i32
      %dma_wait3A_120 = arith.constant 0 : i32
      %dma_wait3A_121 = arith.constant 0 : i32
      %dma_wait3A_122 = tpu.memref_slice %arg8[%dma_wait3A_119, %dma_wait3A_121] : memref<2x2048xi32, #tpu.memory_space<vmem>> -> memref<1x2048xi32, #tpu.memory_space<vmem>>
      %dma_wait3A_123 = tpu.memref_squeeze %dma_wait3A_122 : memref<1x2048xi32, #tpu.memory_space<vmem>> -> memref<2048xi32, #tpu.memory_space<vmem>>
      %dma_wait3A_124 = arith.constant 0 : i32
      %dma_wait3A_125 = tpu.memref_slice %arg3[%dma_wait3A_124] : memref<2684354xf32, #tpu.memory_space<hbm>> -> memref<2048xf32, #tpu.memory_space<hbm>>
      %dma_wait3A_126 = tpu.memref_slice %arg12[%dma_wait3A_120] : memref<2x!tpu.dma_semaphore, #tpu.memory_space<semaphore_mem>> -> memref<1x!tpu.dma_semaphore, #tpu.memory_space<semaphore_mem>>
      %dma_wait3A_127 = tpu.memref_squeeze %dma_wait3A_126 : memref<1x!tpu.dma_semaphore, #tpu.memory_space<semaphore_mem>> -> memref<!tpu.dma_semaphore, #tpu.memory_space<semaphore_mem>>
      %dma_wait3A_128 = arith.constant 0 : i32
      %dma_wait3A_129 = tpu.memref_slice %arg8[%dma_wait3A_119, %dma_wait3A_128] : memref<2x2048xi32, #tpu.memory_space<vmem>> -> memref<1x2048xi32, #tpu.memory_space<vmem>>
      %dma_wait3A_130 = tpu.memref_squeeze %dma_wait3A_129 : memref<1x2048xi32, #tpu.memory_space<vmem>> -> memref<2048xi32, #tpu.memory_space<vmem>>
      %dma_wait3A_131 = arith.constant 0 : i32
      %dma_wait3A_132 = tpu.memref_slice %arg3[%dma_wait3A_131] : memref<2684354xf32, #tpu.memory_space<hbm>> -> memref<2048xf32, #tpu.memory_space<hbm>>
      tpu.wait_dma2 semaphore(%dma_wait3A_127 : memref<!tpu.dma_semaphore, #tpu.memory_space<semaphore_mem>>) src(%dma_wait3A_132 : memref<2048xf32, #tpu.memory_space<hbm>>) dst(%dma_wait3A_130 : memref<2048xi32, #tpu.memory_space<vmem>>)
      %dma_wait3A_133 = arith.constant 0 : i32
      %dma_wait3A_134 = arith.constant 0 : i32
      %dma_wait3A_135 = arith.constant 0 : i32
      %dma_wait3A_136 = tpu.memref_slice %arg9[%dma_wait3A_133, %dma_wait3A_135] : memref<2x2048xf32, #tpu.memory_space<vmem>> -> memref<1x2048xf32, #tpu.memory_space<vmem>>
      %dma_wait3A_137 = tpu.memref_squeeze %dma_wait3A_136 : memref<1x2048xf32, #tpu.memory_space<vmem>> -> memref<2048xf32, #tpu.memory_space<vmem>>
      %dma_wait3A_138 = arith.constant 0 : i32
      %dma_wait3A_139 = tpu.memref_slice %arg3[%dma_wait3A_138] : memref<2684354xf32, #tpu.memory_space<hbm>> -> memref<2048xf32, #tpu.memory_space<hbm>>
      %dma_wait3A_140 = tpu.memref_slice %arg12[%dma_wait3A_134] : memref<2x!tpu.dma_semaphore, #tpu.memory_space<semaphore_mem>> -> memref<1x!tpu.dma_semaphore, #tpu.memory_space<semaphore_mem>>
      %dma_wait3A_141 = tpu.memref_squeeze %dma_wait3A_140 : memref<1x!tpu.dma_semaphore, #tpu.memory_space<semaphore_mem>> -> memref<!tpu.dma_semaphore, #tpu.memory_space<semaphore_mem>>
      %dma_wait3A_142 = arith.constant 0 : i32
      %dma_wait3A_143 = tpu.memref_slice %arg9[%dma_wait3A_133, %dma_wait3A_142] : memref<2x2048xf32, #tpu.memory_space<vmem>> -> memref<1x2048xf32, #tpu.memory_space<vmem>>
      %dma_wait3A_144 = tpu.memref_squeeze %dma_wait3A_143 : memref<1x2048xf32, #tpu.memory_space<vmem>> -> memref<2048xf32, #tpu.memory_space<vmem>>
      %dma_wait3A_145 = arith.constant 0 : i32
      %dma_wait3A_146 = tpu.memref_slice %arg3[%dma_wait3A_145] : memref<2684354xf32, #tpu.memory_space<hbm>> -> memref<2048xf32, #tpu.memory_space<hbm>>
      tpu.wait_dma2 semaphore(%dma_wait3A_141 : memref<!tpu.dma_semaphore, #tpu.memory_space<semaphore_mem>>) src(%dma_wait3A_146 : memref<2048xf32, #tpu.memory_space<hbm>>) dst(%dma_wait3A_144 : memref<2048xf32, #tpu.memory_space<vmem>>)
      %parallel_loop3A_147 = arith.constant 0 : i32
      %parallel_loop3A_148 = arith.constant 2048 : i32
      %parallel_loop3A_149 = arith.constant 16 : i32
      scf.for %parallel_loop3A_212 = %parallel_loop3A_147 to %parallel_loop3A_148 step %parallel_loop3A_149  : i32 {
        %parallel_loop3A_213 = arith.constant 0 : i32
        %parallel_loop3A_214 = arith.index_cast %parallel_loop3A_213 : i32 to index
        %parallel_loop3A_215 = arith.index_cast %parallel_loop3A_212 : i32 to index
        %parallel_loop3A_216 = tpu.vector_load %arg8[%parallel_loop3A_214, %parallel_loop3A_215] {strides = array<i32>} : memref<2x2048xi32, #tpu.memory_space<vmem>>, vector<16xi32>,
        %parallel_loop3A_217 = arith.constant 0 : i32
        %parallel_loop3A_218 = arith.index_cast %parallel_loop3A_217 : i32 to index
        %parallel_loop3A_219 = arith.index_cast %parallel_loop3A_212 : i32 to index
        %parallel_loop3A_220 = tpu.vector_load %arg9[%parallel_loop3A_218, %parallel_loop3A_219] {strides = array<i32>} : memref<2x2048xf32, #tpu.memory_space<vmem>>, vector<16xf32>,
        %parallel_loop3A_221 = arith.constant 7 : i32
        %parallel_loop3A_222 = vector.broadcast %parallel_loop3A_221 : i32 to vector<16xi32>
        %parallel_loop3A_223 = arith.shrui %parallel_loop3A_216, %parallel_loop3A_222 : vector<16xi32>
        %parallel_loop3A_224 = arith.constant 127 : i32
        %parallel_loop3A_225 = vector.broadcast %parallel_loop3A_224 : i32 to vector<16xi32>
        %parallel_loop3A_226 = arith.andi %parallel_loop3A_216, %parallel_loop3A_225 : vector<16xi32>
        tpu.vector_store_idx %arg7[%parallel_loop3A_223, %parallel_loop3A_226], %parallel_loop3A_220 {add = true} : memref<128x128xf32, #tpu.memory_space<vmem>>[vector<16xi32>, vector<16xi32>], vector<16xf32>,
      } {sc.loop_unroll_factor = 8 : i64, sc.parallel_access}
      %add3A_150 = arith.constant 2 : i32
      %add3A_151 = arith.addi %add3A_118, %add3A_150 : i32
      %lt3A = arith.constant 40 : i32
      %lt3A_152 = arith.cmpi slt, %add3A_151, %lt3A : i32
      %convert_element_type3A_153 = arith.extui %lt3A_152 : i1 to i32
      %cond3A_154 = arith.constant 0 : i32
      %cond3A_155 = arith.cmpi ne, %convert_element_type3A_153, %cond3A_154 : i32
      scf.if %cond3A_155 {
        %add3A_212 = arith.constant 2 : i32
        %add3A_213 = arith.addi %add3A_118, %add3A_212 : i32
        %mul3A_214 = arith.constant 32 : i32
        %mul3A_215 = arith.muli %add3A_213, %mul3A_214 : i32
        %mul3A_216 = arith.constant 2048 : i32
        %mul3A_217 = arith.muli %mul3A_215, %mul3A_216 : i32
        %mul3A_218 = arith.constant 2048 : i32
        %mul3A_219 = arith.muli %add3A, %mul3A_218 : i32
        %add3A_220 = arith.addi %mul3A_217, %mul3A_219 : i32
        %dma_start3A_221 = arith.constant 1 : i32
        %dma_start3A_222 = arith.constant 0 : i32
        %dma_start3A_223 = arith.constant 0 : i32
        %dma_start3A_224 = arith.constant 0 : i32
        %dma_start3A_225 = tpu.memref_slice %arg8[%dma_start3A_222, %dma_start3A_224] : memref<2x2048xi32, #tpu.memory_space<vmem>> -> memref<1x2048xi32, #tpu.memory_space<vmem>>
        %dma_start3A_226 = tpu.memref_squeeze %dma_start3A_225 : memref<1x2048xi32, #tpu.memory_space<vmem>> -> memref<2048xi32, #tpu.memory_space<vmem>>
        %dma_start3A_227 = tpu.memref_slice %arg2[%dma_start3A_221, %add3A_220] : memref<2x2684354xi32, #tpu.memory_space<hbm>> -> memref<1x2048xi32, #tpu.memory_space<hbm>>
        %dma_start3A_228 = tpu.memref_squeeze %dma_start3A_227 : memref<1x2048xi32, #tpu.memory_space<hbm>> -> memref<2048xi32, #tpu.memory_space<hbm>>
        %dma_start3A_229 = tpu.memref_slice %arg12[%dma_start3A_223] : memref<2x!tpu.dma_semaphore, #tpu.memory_space<semaphore_mem>> -> memref<1x!tpu.dma_semaphore, #tpu.memory_space<semaphore_mem>>
        %dma_start3A_230 = tpu.memref_squeeze %dma_start3A_229 : memref<1x!tpu.dma_semaphore, #tpu.memory_space<semaphore_mem>> -> memref<!tpu.dma_semaphore, #tpu.memory_space<semaphore_mem>>
        %dma_start3A_231 = arith.constant 0 : i32
        %dma_start3A_232 = tpu.memref_slice %arg8[%dma_start3A_222, %dma_start3A_231] : memref<2x2048xi32, #tpu.memory_space<vmem>> -> memref<1x2048xi32, #tpu.memory_space<vmem>>
        %dma_start3A_233 = tpu.memref_squeeze %dma_start3A_232 : memref<1x2048xi32, #tpu.memory_space<vmem>> -> memref<2048xi32, #tpu.memory_space<vmem>>
        %dma_start3A_234 = tpu.memref_slice %arg2[%dma_start3A_221, %add3A_220] : memref<2x2684354xi32, #tpu.memory_space<hbm>> -> memref<1x2048xi32, #tpu.memory_space<hbm>>
        %dma_start3A_235 = tpu.memref_squeeze %dma_start3A_234 : memref<1x2048xi32, #tpu.memory_space<hbm>> -> memref<2048xi32, #tpu.memory_space<hbm>>
        tpu.enqueue_dma source(%dma_start3A_235 : memref<2048xi32, #tpu.memory_space<hbm>>) target(%dma_start3A_233 : memref<2048xi32, #tpu.memory_space<vmem>>) target_semaphore(%dma_start3A_230 : memref<!tpu.dma_semaphore, #tpu.memory_space<semaphore_mem>>)
        %dma_start3A_236 = arith.constant 0 : i32
        %dma_start3A_237 = arith.constant 0 : i32
        %dma_start3A_238 = arith.constant 0 : i32
        %dma_start3A_239 = tpu.memref_slice %arg9[%dma_start3A_236, %dma_start3A_238] : memref<2x2048xf32, #tpu.memory_space<vmem>> -> memref<1x2048xf32, #tpu.memory_space<vmem>>
        %dma_start3A_240 = tpu.memref_squeeze %dma_start3A_239 : memref<1x2048xf32, #tpu.memory_space<vmem>> -> memref<2048xf32, #tpu.memory_space<vmem>>
        %dma_start3A_241 = tpu.memref_slice %arg3[%add3A_220] : memref<2684354xf32, #tpu.memory_space<hbm>> -> memref<2048xf32, #tpu.memory_space<hbm>>
        %dma_start3A_242 = tpu.memref_slice %arg12[%dma_start3A_237] : memref<2x!tpu.dma_semaphore, #tpu.memory_space<semaphore_mem>> -> memref<1x!tpu.dma_semaphore, #tpu.memory_space<semaphore_mem>>
        %dma_start3A_243 = tpu.memref_squeeze %dma_start3A_242 : memref<1x!tpu.dma_semaphore, #tpu.memory_space<semaphore_mem>> -> memref<!tpu.dma_semaphore, #tpu.memory_space<semaphore_mem>>
        %dma_start3A_244 = arith.constant 0 : i32
        %dma_start3A_245 = tpu.memref_slice %arg9[%dma_start3A_236, %dma_start3A_244] : memref<2x2048xf32, #tpu.memory_space<vmem>> -> memref<1x2048xf32, #tpu.memory_space<vmem>>
        %dma_start3A_246 = tpu.memref_squeeze %dma_start3A_245 : memref<1x2048xf32, #tpu.memory_space<vmem>> -> memref<2048xf32, #tpu.memory_space<vmem>>
        %dma_start3A_247 = tpu.memref_slice %arg3[%add3A_220] : memref<2684354xf32, #tpu.memory_space<hbm>> -> memref<2048xf32, #tpu.memory_space<hbm>>
        tpu.enqueue_dma source(%dma_start3A_247 : memref<2048xf32, #tpu.memory_space<hbm>>) target(%dma_start3A_246 : memref<2048xf32, #tpu.memory_space<vmem>>) target_semaphore(%dma_start3A_243 : memref<!tpu.dma_semaphore, #tpu.memory_space<semaphore_mem>>)
      } else {
      }
      %add3A_156 = arith.constant 2 : i32
      %add3A_157 = arith.addi %add3A_118, %add3A_156 : i32
      %eq3A_158 = arith.constant 40 : i32
      %eq3A_159 = arith.cmpi eq, %add3A_157, %eq3A_158 : i32
      %convert_element_type3A_160 = arith.extui %eq3A_159 : i1 to i32
      %cond3A_161 = arith.constant 0 : i32
      %cond3A_162 = arith.cmpi ne, %convert_element_type3A_160, %cond3A_161 : i32
      scf.if %cond3A_162 {
        %mul3A_212 = arith.constant 2048 : i32
        %mul3A_213 = arith.muli %add3A, %mul3A_212 : i32
        %dma_start3A_214 = arith.constant 0 : i32
        %dma_start3A_215 = arith.constant 0 : i32
        %dma_start3A_216 = arith.constant 0 : i32
        %dma_start3A_217 = tpu.memref_slice %arg8[%dma_start3A_214, %dma_start3A_216] : memref<2x2048xi32, #tpu.memory_space<vmem>> -> memref<1x2048xi32, #tpu.memory_space<vmem>>
        %dma_start3A_218 = tpu.memref_squeeze %dma_start3A_217 : memref<1x2048xi32, #tpu.memory_space<vmem>> -> memref<2048xi32, #tpu.memory_space<vmem>>
        %dma_start3A_219 = tpu.memref_slice %arg4[%mul3A_213] : memref<65536xi32, #tpu.memory_space<hbm>> -> memref<2048xi32, #tpu.memory_space<hbm>>
        %dma_start3A_220 = tpu.memref_slice %arg12[%dma_start3A_215] : memref<2x!tpu.dma_semaphore, #tpu.memory_space<semaphore_mem>> -> memref<1x!tpu.dma_semaphore, #tpu.memory_space<semaphore_mem>>
        %dma_start3A_221 = tpu.memref_squeeze %dma_start3A_220 : memref<1x!tpu.dma_semaphore, #tpu.memory_space<semaphore_mem>> -> memref<!tpu.dma_semaphore, #tpu.memory_space<semaphore_mem>>
        %dma_start3A_222 = arith.constant 0 : i32
        %dma_start3A_223 = tpu.memref_slice %arg8[%dma_start3A_214, %dma_start3A_222] : memref<2x2048xi32, #tpu.memory_space<vmem>> -> memref<1x2048xi32, #tpu.memory_space<vmem>>
        %dma_start3A_224 = tpu.memref_squeeze %dma_start3A_223 : memref<1x2048xi32, #tpu.memory_space<vmem>> -> memref<2048xi32, #tpu.memory_space<vmem>>
        %dma_start3A_225 = tpu.memref_slice %arg4[%mul3A_213] : memref<65536xi32, #tpu.memory_space<hbm>> -> memref<2048xi32, #tpu.memory_space<hbm>>
        tpu.enqueue_dma source(%dma_start3A_225 : memref<2048xi32, #tpu.memory_space<hbm>>) target(%dma_start3A_224 : memref<2048xi32, #tpu.memory_space<vmem>>) target_semaphore(%dma_start3A_221 : memref<!tpu.dma_semaphore, #tpu.memory_space<semaphore_mem>>)
        %dma_start3A_226 = arith.constant 0 : i32
        %dma_start3A_227 = arith.constant 0 : i32
        %dma_start3A_228 = arith.constant 0 : i32
        %dma_start3A_229 = tpu.memref_slice %arg9[%dma_start3A_226, %dma_start3A_228] : memref<2x2048xf32, #tpu.memory_space<vmem>> -> memref<1x2048xf32, #tpu.memory_space<vmem>>
        %dma_start3A_230 = tpu.memref_squeeze %dma_start3A_229 : memref<1x2048xf32, #tpu.memory_space<vmem>> -> memref<2048xf32, #tpu.memory_space<vmem>>
        %dma_start3A_231 = tpu.memref_slice %arg5[%mul3A_213] : memref<65536xf32, #tpu.memory_space<hbm>> -> memref<2048xf32, #tpu.memory_space<hbm>>
        %dma_start3A_232 = tpu.memref_slice %arg12[%dma_start3A_227] : memref<2x!tpu.dma_semaphore, #tpu.memory_space<semaphore_mem>> -> memref<1x!tpu.dma_semaphore, #tpu.memory_space<semaphore_mem>>
        %dma_start3A_233 = tpu.memref_squeeze %dma_start3A_232 : memref<1x!tpu.dma_semaphore, #tpu.memory_space<semaphore_mem>> -> memref<!tpu.dma_semaphore, #tpu.memory_space<semaphore_mem>>
        %dma_start3A_234 = arith.constant 0 : i32
        %dma_start3A_235 = tpu.memref_slice %arg9[%dma_start3A_226, %dma_start3A_234] : memref<2x2048xf32, #tpu.memory_space<vmem>> -> memref<1x2048xf32, #tpu.memory_space<vmem>>
        %dma_start3A_236 = tpu.memref_squeeze %dma_start3A_235 : memref<1x2048xf32, #tpu.memory_space<vmem>> -> memref<2048xf32, #tpu.memory_space<vmem>>
        %dma_start3A_237 = tpu.memref_slice %arg5[%mul3A_213] : memref<65536xf32, #tpu.memory_space<hbm>> -> memref<2048xf32, #tpu.memory_space<hbm>>
        tpu.enqueue_dma source(%dma_start3A_237 : memref<2048xf32, #tpu.memory_space<hbm>>) target(%dma_start3A_236 : memref<2048xf32, #tpu.memory_space<vmem>>) target_semaphore(%dma_start3A_233 : memref<!tpu.dma_semaphore, #tpu.memory_space<semaphore_mem>>)
      } else {
      }
      %mul3A_163 = arith.constant 2 : i32
      %mul3A_164 = arith.muli %scan3A_114, %mul3A_163 : i32
      %add3A_165 = arith.constant 1 : i32
      %add3A_166 = arith.addi %mul3A_164, %add3A_165 : i32
      %dma_wait3A_167 = arith.constant 1 : i32
      %dma_wait3A_168 = arith.constant 1 : i32
      %dma_wait3A_169 = arith.constant 0 : i32
      %dma_wait3A_170 = tpu.memref_slice %arg8[%dma_wait3A_167, %dma_wait3A_169] : memref<2x2048xi32, #tpu.memory_space<vmem>> -> memref<1x2048xi32, #tpu.memory_space<vmem>>
      %dma_wait3A_171 = tpu.memref_squeeze %dma_wait3A_170 : memref<1x2048xi32, #tpu.memory_space<vmem>> -> memref<2048xi32, #tpu.memory_space<vmem>>
      %dma_wait3A_172 = arith.constant 0 : i32
      %dma_wait3A_173 = tpu.memref_slice %arg3[%dma_wait3A_172] : memref<2684354xf32, #tpu.memory_space<hbm>> -> memref<2048xf32, #tpu.memory_space<hbm>>
      %dma_wait3A_174 = tpu.memref_slice %arg12[%dma_wait3A_168] : memref<2x!tpu.dma_semaphore, #tpu.memory_space<semaphore_mem>> -> memref<1x!tpu.dma_semaphore, #tpu.memory_space<semaphore_mem>>
      %dma_wait3A_175 = tpu.memref_squeeze %dma_wait3A_174 : memref<1x!tpu.dma_semaphore, #tpu.memory_space<semaphore_mem>> -> memref<!tpu.dma_semaphore, #tpu.memory_space<semaphore_mem>>
      %dma_wait3A_176 = arith.constant 0 : i32
      %dma_wait3A_177 = tpu.memref_slice %arg8[%dma_wait3A_167, %dma_wait3A_176] : memref<2x2048xi32, #tpu.memory_space<vmem>> -> memref<1x2048xi32, #tpu.memory_space<vmem>>
      %dma_wait3A_178 = tpu.memref_squeeze %dma_wait3A_177 : memref<1x2048xi32, #tpu.memory_space<vmem>> -> memref<2048xi32, #tpu.memory_space<vmem>>
      %dma_wait3A_179 = arith.constant 0 : i32
      %dma_wait3A_180 = tpu.memref_slice %arg3[%dma_wait3A_179] : memref<2684354xf32, #tpu.memory_space<hbm>> -> memref<2048xf32, #tpu.memory_space<hbm>>
      tpu.wait_dma2 semaphore(%dma_wait3A_175 : memref<!tpu.dma_semaphore, #tpu.memory_space<semaphore_mem>>) src(%dma_wait3A_180 : memref<2048xf32, #tpu.memory_space<hbm>>) dst(%dma_wait3A_178 : memref<2048xi32, #tpu.memory_space<vmem>>)
      %dma_wait3A_181 = arith.constant 1 : i32
      %dma_wait3A_182 = arith.constant 1 : i32
      %dma_wait3A_183 = arith.constant 0 : i32
      %dma_wait3A_184 = tpu.memref_slice %arg9[%dma_wait3A_181, %dma_wait3A_183] : memref<2x2048xf32, #tpu.memory_space<vmem>> -> memref<1x2048xf32, #tpu.memory_space<vmem>>
      %dma_wait3A_185 = tpu.memref_squeeze %dma_wait3A_184 : memref<1x2048xf32, #tpu.memory_space<vmem>> -> memref<2048xf32, #tpu.memory_space<vmem>>
      %dma_wait3A_186 = arith.constant 0 : i32
      %dma_wait3A_187 = tpu.memref_slice %arg3[%dma_wait3A_186] : memref<2684354xf32, #tpu.memory_space<hbm>> -> memref<2048xf32, #tpu.memory_space<hbm>>
      %dma_wait3A_188 = tpu.memref_slice %arg12[%dma_wait3A_182] : memref<2x!tpu.dma_semaphore, #tpu.memory_space<semaphore_mem>> -> memref<1x!tpu.dma_semaphore, #tpu.memory_space<semaphore_mem>>
      %dma_wait3A_189 = tpu.memref_squeeze %dma_wait3A_188 : memref<1x!tpu.dma_semaphore, #tpu.memory_space<semaphore_mem>> -> memref<!tpu.dma_semaphore, #tpu.memory_space<semaphore_mem>>
      %dma_wait3A_190 = arith.constant 0 : i32
      %dma_wait3A_191 = tpu.memref_slice %arg9[%dma_wait3A_181, %dma_wait3A_190] : memref<2x2048xf32, #tpu.memory_space<vmem>> -> memref<1x2048xf32, #tpu.memory_space<vmem>>
      %dma_wait3A_192 = tpu.memref_squeeze %dma_wait3A_191 : memref<1x2048xf32, #tpu.memory_space<vmem>> -> memref<2048xf32, #tpu.memory_space<vmem>>
      %dma_wait3A_193 = arith.constant 0 : i32
      %dma_wait3A_194 = tpu.memref_slice %arg3[%dma_wait3A_193] : memref<2684354xf32, #tpu.memory_space<hbm>> -> memref<2048xf32, #tpu.memory_space<hbm>>
      tpu.wait_dma2 semaphore(%dma_wait3A_189 : memref<!tpu.dma_semaphore, #tpu.memory_space<semaphore_mem>>) src(%dma_wait3A_194 : memref<2048xf32, #tpu.memory_space<hbm>>) dst(%dma_wait3A_192 : memref<2048xf32, #tpu.memory_space<vmem>>)
      %parallel_loop3A_195 = arith.constant 0 : i32
      %parallel_loop3A_196 = arith.constant 2048 : i32
      %parallel_loop3A_197 = arith.constant 16 : i32
      scf.for %parallel_loop3A_212 = %parallel_loop3A_195 to %parallel_loop3A_196 step %parallel_loop3A_197  : i32 {
        %parallel_loop3A_213 = arith.constant 1 : i32
        %parallel_loop3A_214 = arith.index_cast %parallel_loop3A_213 : i32 to index
        %parallel_loop3A_215 = arith.index_cast %parallel_loop3A_212 : i32 to index
        %parallel_loop3A_216 = tpu.vector_load %arg8[%parallel_loop3A_214, %parallel_loop3A_215] {strides = array<i32>} : memref<2x2048xi32, #tpu.memory_space<vmem>>, vector<16xi32>,
        %parallel_loop3A_217 = arith.constant 1 : i32
        %parallel_loop3A_218 = arith.index_cast %parallel_loop3A_217 : i32 to index
        %parallel_loop3A_219 = arith.index_cast %parallel_loop3A_212 : i32 to index
        %parallel_loop3A_220 = tpu.vector_load %arg9[%parallel_loop3A_218, %parallel_loop3A_219] {strides = array<i32>} : memref<2x2048xf32, #tpu.memory_space<vmem>>, vector<16xf32>,
        %parallel_loop3A_221 = arith.constant 7 : i32
        %parallel_loop3A_222 = vector.broadcast %parallel_loop3A_221 : i32 to vector<16xi32>
        %parallel_loop3A_223 = arith.shrui %parallel_loop3A_216, %parallel_loop3A_222 : vector<16xi32>
        %parallel_loop3A_224 = arith.constant 127 : i32
        %parallel_loop3A_225 = vector.broadcast %parallel_loop3A_224 : i32 to vector<16xi32>
        %parallel_loop3A_226 = arith.andi %parallel_loop3A_216, %parallel_loop3A_225 : vector<16xi32>
        tpu.vector_store_idx %arg7[%parallel_loop3A_223, %parallel_loop3A_226], %parallel_loop3A_220 {add = true} : memref<128x128xf32, #tpu.memory_space<vmem>>[vector<16xi32>, vector<16xi32>], vector<16xf32>,
      } {sc.loop_unroll_factor = 8 : i64, sc.parallel_access}
      %add3A_198 = arith.constant 2 : i32
      %add3A_199 = arith.addi %add3A_166, %add3A_198 : i32
      %lt3A_200 = arith.constant 40 : i32
      %lt3A_201 = arith.cmpi slt, %add3A_199, %lt3A_200 : i32
      %convert_element_type3A_202 = arith.extui %lt3A_201 : i1 to i32
      %cond3A_203 = arith.constant 0 : i32
      %cond3A_204 = arith.cmpi ne, %convert_element_type3A_202, %cond3A_203 : i32
      scf.if %cond3A_204 {
        %add3A_212 = arith.constant 2 : i32
        %add3A_213 = arith.addi %add3A_166, %add3A_212 : i32
        %mul3A_214 = arith.constant 32 : i32
        %mul3A_215 = arith.muli %add3A_213, %mul3A_214 : i32
        %mul3A_216 = arith.constant 2048 : i32
        %mul3A_217 = arith.muli %mul3A_215, %mul3A_216 : i32
        %mul3A_218 = arith.constant 2048 : i32
        %mul3A_219 = arith.muli %add3A, %mul3A_218 : i32
        %add3A_220 = arith.addi %mul3A_217, %mul3A_219 : i32
        %dma_start3A_221 = arith.constant 1 : i32
        %dma_start3A_222 = arith.constant 1 : i32
        %dma_start3A_223 = arith.constant 1 : i32
        %dma_start3A_224 = arith.constant 0 : i32
        %dma_start3A_225 = tpu.memref_slice %arg8[%dma_start3A_222, %dma_start3A_224] : memref<2x2048xi32, #tpu.memory_space<vmem>> -> memref<1x2048xi32, #tpu.memory_space<vmem>>
        %dma_start3A_226 = tpu.memref_squeeze %dma_start3A_225 : memref<1x2048xi32, #tpu.memory_space<vmem>> -> memref<2048xi32, #tpu.memory_space<vmem>>
        %dma_start3A_227 = tpu.memref_slice %arg2[%dma_start3A_221, %add3A_220] : memref<2x2684354xi32, #tpu.memory_space<hbm>> -> memref<1x2048xi32, #tpu.memory_space<hbm>>
        %dma_start3A_228 = tpu.memref_squeeze %dma_start3A_227 : memref<1x2048xi32, #tpu.memory_space<hbm>> -> memref<2048xi32, #tpu.memory_space<hbm>>
        %dma_start3A_229 = tpu.memref_slice %arg12[%dma_start3A_223] : memref<2x!tpu.dma_semaphore, #tpu.memory_space<semaphore_mem>> -> memref<1x!tpu.dma_semaphore, #tpu.memory_space<semaphore_mem>>
        %dma_start3A_230 = tpu.memref_squeeze %dma_start3A_229 : memref<1x!tpu.dma_semaphore, #tpu.memory_space<semaphore_mem>> -> memref<!tpu.dma_semaphore, #tpu.memory_space<semaphore_mem>>
        %dma_start3A_231 = arith.constant 0 : i32
        %dma_start3A_232 = tpu.memref_slice %arg8[%dma_start3A_222, %dma_start3A_231] : memref<2x2048xi32, #tpu.memory_space<vmem>> -> memref<1x2048xi32, #tpu.memory_space<vmem>>
        %dma_start3A_233 = tpu.memref_squeeze %dma_start3A_232 : memref<1x2048xi32, #tpu.memory_space<vmem>> -> memref<2048xi32, #tpu.memory_space<vmem>>
        %dma_start3A_234 = tpu.memref_slice %arg2[%dma_start3A_221, %add3A_220] : memref<2x2684354xi32, #tpu.memory_space<hbm>> -> memref<1x2048xi32, #tpu.memory_space<hbm>>
        %dma_start3A_235 = tpu.memref_squeeze %dma_start3A_234 : memref<1x2048xi32, #tpu.memory_space<hbm>> -> memref<2048xi32, #tpu.memory_space<hbm>>
        tpu.enqueue_dma source(%dma_start3A_235 : memref<2048xi32, #tpu.memory_space<hbm>>) target(%dma_start3A_233 : memref<2048xi32, #tpu.memory_space<vmem>>) target_semaphore(%dma_start3A_230 : memref<!tpu.dma_semaphore, #tpu.memory_space<semaphore_mem>>)
        %dma_start3A_236 = arith.constant 1 : i32
        %dma_start3A_237 = arith.constant 1 : i32
        %dma_start3A_238 = arith.constant 0 : i32
        %dma_start3A_239 = tpu.memref_slice %arg9[%dma_start3A_236, %dma_start3A_238] : memref<2x2048xf32, #tpu.memory_space<vmem>> -> memref<1x2048xf32, #tpu.memory_space<vmem>>
        %dma_start3A_240 = tpu.memref_squeeze %dma_start3A_239 : memref<1x2048xf32, #tpu.memory_space<vmem>> -> memref<2048xf32, #tpu.memory_space<vmem>>
        %dma_start3A_241 = tpu.memref_slice %arg3[%add3A_220] : memref<2684354xf32, #tpu.memory_space<hbm>> -> memref<2048xf32, #tpu.memory_space<hbm>>
        %dma_start3A_242 = tpu.memref_slice %arg12[%dma_start3A_237] : memref<2x!tpu.dma_semaphore, #tpu.memory_space<semaphore_mem>> -> memref<1x!tpu.dma_semaphore, #tpu.memory_space<semaphore_mem>>
        %dma_start3A_243 = tpu.memref_squeeze %dma_start3A_242 : memref<1x!tpu.dma_semaphore, #tpu.memory_space<semaphore_mem>> -> memref<!tpu.dma_semaphore, #tpu.memory_space<semaphore_mem>>
        %dma_start3A_244 = arith.constant 0 : i32
        %dma_start3A_245 = tpu.memref_slice %arg9[%dma_start3A_236, %dma_start3A_244] : memref<2x2048xf32, #tpu.memory_space<vmem>> -> memref<1x2048xf32, #tpu.memory_space<vmem>>
        %dma_start3A_246 = tpu.memref_squeeze %dma_start3A_245 : memref<1x2048xf32, #tpu.memory_space<vmem>> -> memref<2048xf32, #tpu.memory_space<vmem>>
        %dma_start3A_247 = tpu.memref_slice %arg3[%add3A_220] : memref<2684354xf32, #tpu.memory_space<hbm>> -> memref<2048xf32, #tpu.memory_space<hbm>>
        tpu.enqueue_dma source(%dma_start3A_247 : memref<2048xf32, #tpu.memory_space<hbm>>) target(%dma_start3A_246 : memref<2048xf32, #tpu.memory_space<vmem>>) target_semaphore(%dma_start3A_243 : memref<!tpu.dma_semaphore, #tpu.memory_space<semaphore_mem>>)
      } else {
      }
      %add3A_205 = arith.constant 2 : i32
      %add3A_206 = arith.addi %add3A_166, %add3A_205 : i32
      %eq3A_207 = arith.constant 40 : i32
      %eq3A_208 = arith.cmpi eq, %add3A_206, %eq3A_207 : i32
      %convert_element_type3A_209 = arith.extui %eq3A_208 : i1 to i32
      %cond3A_210 = arith.constant 0 : i32
      %cond3A_211 = arith.cmpi ne, %convert_element_type3A_209, %cond3A_210 : i32
      scf.if %cond3A_211 {
        %mul3A_212 = arith.constant 2048 : i32
        %mul3A_213 = arith.muli %add3A, %mul3A_212 : i32
        %dma_start3A_214 = arith.constant 1 : i32
        %dma_start3A_215 = arith.constant 1 : i32
        %dma_start3A_216 = arith.constant 0 : i32
        %dma_start3A_217 = tpu.memref_slice %arg8[%dma_start3A_214, %dma_start3A_216] : memref<2x2048xi32, #tpu.memory_space<vmem>> -> memref<1x2048xi32, #tpu.memory_space<vmem>>
        %dma_start3A_218 = tpu.memref_squeeze %dma_start3A_217 : memref<1x2048xi32, #tpu.memory_space<vmem>> -> memref<2048xi32, #tpu.memory_space<vmem>>
        %dma_start3A_219 = tpu.memref_slice %arg4[%mul3A_213] : memref<65536xi32, #tpu.memory_space<hbm>> -> memref<2048xi32, #tpu.memory_space<hbm>>
        %dma_start3A_220 = tpu.memref_slice %arg12[%dma_start3A_215] : memref<2x!tpu.dma_semaphore, #tpu.memory_space<semaphore_mem>> -> memref<1x!tpu.dma_semaphore, #tpu.memory_space<semaphore_mem>>
        %dma_start3A_221 = tpu.memref_squeeze %dma_start3A_220 : memref<1x!tpu.dma_semaphore, #tpu.memory_space<semaphore_mem>> -> memref<!tpu.dma_semaphore, #tpu.memory_space<semaphore_mem>>
        %dma_start3A_222 = arith.constant 0 : i32
        %dma_start3A_223 = tpu.memref_slice %arg8[%dma_start3A_214, %dma_start3A_222] : memref<2x2048xi32, #tpu.memory_space<vmem>> -> memref<1x2048xi32, #tpu.memory_space<vmem>>
        %dma_start3A_224 = tpu.memref_squeeze %dma_start3A_223 : memref<1x2048xi32, #tpu.memory_space<vmem>> -> memref<2048xi32, #tpu.memory_space<vmem>>
        %dma_start3A_225 = tpu.memref_slice %arg4[%mul3A_213] : memref<65536xi32, #tpu.memory_space<hbm>> -> memref<2048xi32, #tpu.memory_space<hbm>>
        tpu.enqueue_dma source(%dma_start3A_225 : memref<2048xi32, #tpu.memory_space<hbm>>) target(%dma_start3A_224 : memref<2048xi32, #tpu.memory_space<vmem>>) target_semaphore(%dma_start3A_221 : memref<!tpu.dma_semaphore, #tpu.memory_space<semaphore_mem>>)
        %dma_start3A_226 = arith.constant 1 : i32
        %dma_start3A_227 = arith.constant 1 : i32
        %dma_start3A_228 = arith.constant 0 : i32
        %dma_start3A_229 = tpu.memref_slice %arg9[%dma_start3A_226, %dma_start3A_228] : memref<2x2048xf32, #tpu.memory_space<vmem>> -> memref<1x2048xf32, #tpu.memory_space<vmem>>
        %dma_start3A_230 = tpu.memref_squeeze %dma_start3A_229 : memref<1x2048xf32, #tpu.memory_space<vmem>> -> memref<2048xf32, #tpu.memory_space<vmem>>
        %dma_start3A_231 = tpu.memref_slice %arg5[%mul3A_213] : memref<65536xf32, #tpu.memory_space<hbm>> -> memref<2048xf32, #tpu.memory_space<hbm>>
        %dma_start3A_232 = tpu.memref_slice %arg12[%dma_start3A_227] : memref<2x!tpu.dma_semaphore, #tpu.memory_space<semaphore_mem>> -> memref<1x!tpu.dma_semaphore, #tpu.memory_space<semaphore_mem>>
        %dma_start3A_233 = tpu.memref_squeeze %dma_start3A_232 : memref<1x!tpu.dma_semaphore, #tpu.memory_space<semaphore_mem>> -> memref<!tpu.dma_semaphore, #tpu.memory_space<semaphore_mem>>
        %dma_start3A_234 = arith.constant 0 : i32
        %dma_start3A_235 = tpu.memref_slice %arg9[%dma_start3A_226, %dma_start3A_234] : memref<2x2048xf32, #tpu.memory_space<vmem>> -> memref<1x2048xf32, #tpu.memory_space<vmem>>
        %dma_start3A_236 = tpu.memref_squeeze %dma_start3A_235 : memref<1x2048xf32, #tpu.memory_space<vmem>> -> memref<2048xf32, #tpu.memory_space<vmem>>
        %dma_start3A_237 = tpu.memref_slice %arg5[%mul3A_213] : memref<65536xf32, #tpu.memory_space<hbm>> -> memref<2048xf32, #tpu.memory_space<hbm>>
        tpu.enqueue_dma source(%dma_start3A_237 : memref<2048xf32, #tpu.memory_space<hbm>>) target(%dma_start3A_236 : memref<2048xf32, #tpu.memory_space<vmem>>) target_semaphore(%dma_start3A_233 : memref<!tpu.dma_semaphore, #tpu.memory_space<semaphore_mem>>)
      } else {
      }
    }
    %scan3A_78 = arith.constant 20 : i32
    %dma_wait3A = arith.constant 0 : i32
    %dma_wait3A_79 = arith.constant 0 : i32
    %dma_wait3A_80 = arith.constant 0 : i32
    %dma_wait3A_81 = tpu.memref_slice %arg8[%dma_wait3A, %dma_wait3A_80] : memref<2x2048xi32, #tpu.memory_space<vmem>> -> memref<1x2048xi32, #tpu.memory_space<vmem>>
    %dma_wait3A_82 = tpu.memref_squeeze %dma_wait3A_81 : memref<1x2048xi32, #tpu.memory_space<vmem>> -> memref<2048xi32, #tpu.memory_space<vmem>>
    %dma_wait3A_83 = arith.constant 0 : i32
    %dma_wait3A_84 = tpu.memref_slice %arg3[%dma_wait3A_83] : memref<2684354xf32, #tpu.memory_space<hbm>> -> memref<2048xf32, #tpu.memory_space<hbm>>
    %dma_wait3A_85 = tpu.memref_slice %arg12[%dma_wait3A_79] : memref<2x!tpu.dma_semaphore, #tpu.memory_space<semaphore_mem>> -> memref<1x!tpu.dma_semaphore, #tpu.memory_space<semaphore_mem>>
    %dma_wait3A_86 = tpu.memref_squeeze %dma_wait3A_85 : memref<1x!tpu.dma_semaphore, #tpu.memory_space<semaphore_mem>> -> memref<!tpu.dma_semaphore, #tpu.memory_space<semaphore_mem>>
    %dma_wait3A_87 = arith.constant 0 : i32
    %dma_wait3A_88 = tpu.memref_slice %arg8[%dma_wait3A, %dma_wait3A_87] : memref<2x2048xi32, #tpu.memory_space<vmem>> -> memref<1x2048xi32, #tpu.memory_space<vmem>>
    %dma_wait3A_89 = tpu.memref_squeeze %dma_wait3A_88 : memref<1x2048xi32, #tpu.memory_space<vmem>> -> memref<2048xi32, #tpu.memory_space<vmem>>
    %dma_wait3A_90 = arith.constant 0 : i32
    %dma_wait3A_91 = tpu.memref_slice %arg3[%dma_wait3A_90] : memref<2684354xf32, #tpu.memory_space<hbm>> -> memref<2048xf32, #tpu.memory_space<hbm>>
    tpu.wait_dma2 semaphore(%dma_wait3A_86 : memref<!tpu.dma_semaphore, #tpu.memory_space<semaphore_mem>>) src(%dma_wait3A_91 : memref<2048xf32, #tpu.memory_space<hbm>>) dst(%dma_wait3A_89 : memref<2048xi32, #tpu.memory_space<vmem>>)
    %dma_wait3A_92 = arith.constant 0 : i32
    %dma_wait3A_93 = arith.constant 0 : i32
    %dma_wait3A_94 = arith.constant 0 : i32
    %dma_wait3A_95 = tpu.memref_slice %arg9[%dma_wait3A_92, %dma_wait3A_94] : memref<2x2048xf32, #tpu.memory_space<vmem>> -> memref<1x2048xf32, #tpu.memory_space<vmem>>
    %dma_wait3A_96 = tpu.memref_squeeze %dma_wait3A_95 : memref<1x2048xf32, #tpu.memory_space<vmem>> -> memref<2048xf32, #tpu.memory_space<vmem>>
    %dma_wait3A_97 = arith.constant 0 : i32
    %dma_wait3A_98 = tpu.memref_slice %arg3[%dma_wait3A_97] : memref<2684354xf32, #tpu.memory_space<hbm>> -> memref<2048xf32, #tpu.memory_space<hbm>>
    %dma_wait3A_99 = tpu.memref_slice %arg12[%dma_wait3A_93] : memref<2x!tpu.dma_semaphore, #tpu.memory_space<semaphore_mem>> -> memref<1x!tpu.dma_semaphore, #tpu.memory_space<semaphore_mem>>
    %dma_wait3A_100 = tpu.memref_squeeze %dma_wait3A_99 : memref<1x!tpu.dma_semaphore, #tpu.memory_space<semaphore_mem>> -> memref<!tpu.dma_semaphore, #tpu.memory_space<semaphore_mem>>
    %dma_wait3A_101 = arith.constant 0 : i32
    %dma_wait3A_102 = tpu.memref_slice %arg9[%dma_wait3A_92, %dma_wait3A_101] : memref<2x2048xf32, #tpu.memory_space<vmem>> -> memref<1x2048xf32, #tpu.memory_space<vmem>>
    %dma_wait3A_103 = tpu.memref_squeeze %dma_wait3A_102 : memref<1x2048xf32, #tpu.memory_space<vmem>> -> memref<2048xf32, #tpu.memory_space<vmem>>
    %dma_wait3A_104 = arith.constant 0 : i32
    %dma_wait3A_105 = tpu.memref_slice %arg3[%dma_wait3A_104] : memref<2684354xf32, #tpu.memory_space<hbm>> -> memref<2048xf32, #tpu.memory_space<hbm>>
    tpu.wait_dma2 semaphore(%dma_wait3A_100 : memref<!tpu.dma_semaphore, #tpu.memory_space<semaphore_mem>>) src(%dma_wait3A_105 : memref<2048xf32, #tpu.memory_space<hbm>>) dst(%dma_wait3A_103 : memref<2048xf32, #tpu.memory_space<vmem>>)
    %parallel_loop3A = arith.constant 0 : i32
    %parallel_loop3A_106 = arith.constant 2048 : i32
    %parallel_loop3A_107 = arith.constant 16 : i32
    scf.for %parallel_loop3A_114 = %parallel_loop3A to %parallel_loop3A_106 step %parallel_loop3A_107  : i32 {
      %parallel_loop3A_115 = arith.constant 0 : i32
      %parallel_loop3A_116 = arith.index_cast %parallel_loop3A_115 : i32 to index
      %parallel_loop3A_117 = arith.index_cast %parallel_loop3A_114 : i32 to index
      %parallel_loop3A_118 = tpu.vector_load %arg8[%parallel_loop3A_116, %parallel_loop3A_117] {strides = array<i32>} : memref<2x2048xi32, #tpu.memory_space<vmem>>, vector<16xi32>,
      %parallel_loop3A_119 = arith.constant 0 : i32
      %parallel_loop3A_120 = arith.index_cast %parallel_loop3A_119 : i32 to index
      %parallel_loop3A_121 = arith.index_cast %parallel_loop3A_114 : i32 to index
      %parallel_loop3A_122 = tpu.vector_load %arg9[%parallel_loop3A_120, %parallel_loop3A_121] {strides = array<i32>} : memref<2x2048xf32, #tpu.memory_space<vmem>>, vector<16xf32>,
      %parallel_loop3A_123 = arith.constant 7 : i32
      %parallel_loop3A_124 = vector.broadcast %parallel_loop3A_123 : i32 to vector<16xi32>
      %parallel_loop3A_125 = arith.shrui %parallel_loop3A_118, %parallel_loop3A_124 : vector<16xi32>
      %parallel_loop3A_126 = arith.constant 127 : i32
      %parallel_loop3A_127 = vector.broadcast %parallel_loop3A_126 : i32 to vector<16xi32>
      %parallel_loop3A_128 = arith.andi %parallel_loop3A_118, %parallel_loop3A_127 : vector<16xi32>
      tpu.vector_store_idx %arg7[%parallel_loop3A_125, %parallel_loop3A_128], %parallel_loop3A_122 {add = true} : memref<128x128xf32, #tpu.memory_space<vmem>>[vector<16xi32>, vector<16xi32>], vector<16xf32>,
    } {sc.loop_unroll_factor = 8 : i64, sc.parallel_access}
    %barrier3A = arith.constant 0 : index
    tpu.barrier barrier_id(%barrier3A)
    "tpu.region"() ({
      %run_scoped3A = tpu.sem_alloc : memref<!tpu.dma_semaphore, #tpu.memory_space<semaphore_mem>>
      %dma_start3A_114 = arith.constant 0 : i32
      %dma_start3A_115 = arith.constant 0 : i32
      %dma_start3A_116 = tpu.memref_slice %arg11[%dma_start3A_114, %dma_start3A_115] : memref<128x128xf32, #tpu.memory_space<vmem_shared>> -> memref<128x128xf32, #tpu.memory_space<vmem_shared>>
      tpu.enqueue_indirect_dma source(%arg7 : memref<128x128xf32, #tpu.memory_space<vmem>>) target(%dma_start3A_116 : memref<128x128xf32, #tpu.memory_space<vmem_shared>>) offsets(%arg10 : memref<128xi32, #tpu.memory_space<vmem>>) semaphore(%run_scoped3A : memref<!tpu.dma_semaphore, #tpu.memory_space<semaphore_mem>>) {add = true}
      %dma_wait3A_117 = arith.constant 0 : i32
      %dma_wait3A_118 = arith.constant 0 : i32
      %dma_wait3A_119 = tpu.memref_slice %arg11[%dma_wait3A_117, %dma_wait3A_118] : memref<128x128xf32, #tpu.memory_space<vmem_shared>> -> memref<128x128xf32, #tpu.memory_space<vmem_shared>>
      tpu.wait_indirect_dma semaphore(%run_scoped3A : memref<!tpu.dma_semaphore, #tpu.memory_space<semaphore_mem>>) src(%arg7 : memref<128x128xf32, #tpu.memory_space<vmem>>) dst(%dma_wait3A_119 : memref<128x128xf32, #tpu.memory_space<vmem_shared>>)
      tpu.yield
    }) : () -> ()
    %barrier3A_108 = arith.constant 0 : index
    tpu.barrier barrier_id(%barrier3A_108)
    %eq3A_109 = arith.constant 0 : i32
    %eq3A_110 = arith.cmpi eq, %arg1, %eq3A_109 : i32
    %convert_element_type3A_111 = arith.extui %eq3A_110 : i1 to i32
    %cond3A_112 = arith.constant 0 : i32
    %cond3A_113 = arith.cmpi ne, %convert_element_type3A_111, %cond3A_112 : i32
    scf.if %cond3A_113 {
      "tpu.region"() ({
        %run_scoped3A = tpu.sem_alloc : memref<!tpu.dma_semaphore, #tpu.memory_space<semaphore_mem>>
        %dma_start3A_114 = arith.constant 0 : i32
        %dma_start3A_115 = arith.constant 0 : i32
        %dma_start3A_116 = tpu.memref_slice %arg6[%arg0, %dma_start3A_114, %dma_start3A_115] : memref<2x128x128xf32, #tpu.memory_space<hbm>> -> memref<1x128x128xf32, #tpu.memory_space<hbm>>
        %dma_start3A_117 = tpu.memref_squeeze %dma_start3A_116 : memref<1x128x128xf32, #tpu.memory_space<hbm>> -> memref<128x128xf32, #tpu.memory_space<hbm>>
        tpu.enqueue_dma source(%arg11 : memref<128x128xf32, #tpu.memory_space<vmem_shared>>) target(%dma_start3A_117 : memref<128x128xf32, #tpu.memory_space<hbm>>) target_semaphore(%run_scoped3A : memref<!tpu.dma_semaphore, #tpu.memory_space<semaphore_mem>>)
        %dma_wait3A_118 = arith.constant 0 : i32
        %dma_wait3A_119 = arith.constant 0 : i32
        %dma_wait3A_120 = tpu.memref_slice %arg6[%arg0, %dma_wait3A_118, %dma_wait3A_119] : memref<2x128x128xf32, #tpu.memory_space<hbm>> -> memref<1x128x128xf32, #tpu.memory_space<hbm>>
        %dma_wait3A_121 = tpu.memref_squeeze %dma_wait3A_120 : memref<1x128x128xf32, #tpu.memory_space<hbm>> -> memref<128x128xf32, #tpu.memory_space<hbm>>
        tpu.wait_dma2 semaphore(%run_scoped3A : memref<!tpu.dma_semaphore, #tpu.memory_space<semaphore_mem>>) src(%arg11 : memref<128x128xf32, #tpu.memory_space<vmem_shared>>) dst(%dma_wait3A_121 : memref<128x128xf32, #tpu.memory_space<hbm>>)
        tpu.yield
      }) : () -> ()
    } else {
    }
    return
  }
}

module attributes {stable_mosaic.version = 14 : i64} {
  func.func @body(%arg0: memref<2x128x128xf32, #tpu.memory_space<vmem>>, %arg1: memref<128x128xf32, #tpu.memory_space<vmem>>) attributes {dimension_semantics = [], scalar_prefetch = 0 : i64, scratch_operands = 0 : i64, tpu.core_type = #tpu.core_type<tc>} {
    %get3A = arith.constant 0 : index
    %get3A_0 = arith.constant 0 : index
    %get3A_1 = arith.constant 0 : index
    %get3A_2 = vector.load %arg0[%get3A, %get3A_0, %get3A_1] : memref<2x128x128xf32, #tpu.memory_space<vmem>>, vector<1x128x128xf32>
    %get3A_3 = vector.shape_cast %get3A_2 : vector<1x128x128xf32> to vector<128x128xf32>
    %get3A_4 = arith.constant 1 : index
    %get3A_5 = arith.constant 0 : index
    %get3A_6 = arith.constant 0 : index
    %get3A_7 = vector.load %arg0[%get3A_4, %get3A_5, %get3A_6] : memref<2x128x128xf32, #tpu.memory_space<vmem>>, vector<1x128x128xf32>
    %get3A_8 = vector.shape_cast %get3A_7 : vector<1x128x128xf32> to vector<128x128xf32>
    %add3A = arith.addf %get3A_3, %get3A_8 : vector<128x128xf32>
    %swap3A = arith.constant 0 : index
    %swap3A_9 = arith.constant 0 : index
    %swap3A_10 = vector.load %arg1[%swap3A, %swap3A_9] : memref<128x128xf32, #tpu.memory_space<vmem>>, vector<128x128xf32>
    tpu.vector_store %arg1[%swap3A, %swap3A_9], %add3A {strides = array<i32>} : memref<128x128xf32, #tpu.memory_space<vmem>>, vector<128x128xf32>,
    return
  }
}

</mosaic_0001>

<sc_bundles>
// kernel: kernel.4.cloned.1.call-start
scs
__scs_entry_jumppad:
0x0: {  	(pc) =	sbr.rel $0x88, $3  }
0x1: {  	(tag) =	ssettag $0x0;
	lr =	simm.s32 $0x1  }
0x2: {  	[smem:$0x3F9F] =	sst lr;
	_ =	strace $0xD0000000  }
0x3: {  	_ = 	snop  }
0x4: {  	_ = 	snop  }
0x5: {  	_ = 	snop  }
0x6: {  	_ = 	snop  }
0x7: {  	_ = 	snop  }
__scs_overlays_trampoline_lowered:
0x8: {  	[smem:$0x3FAE] =	sst s0  }
0x9: {  	[smem:$0x3FAF] =	sst s1  }
0xa: {  	[smem:$0x3FB0] =	sst s2  }
0xb: {  	[smem:$0x3FB1] =	sst s3  }
0xc: {  	[smem:$0x3FB2] =	sst s4  }
0xd: {  	[smem:$0x3FB3] =	sst s5  }
0xe: {  	[smem:$0x3FB4] =	sst s6  }
0xf: {  	[smem:$0x3FB5] =	sst s7  }
0x10: {  	[smem:$0x3FB6] =	sst s8  }
0x11: {  	[smem:$0x3FB7] =	sst s9;
	s0 =	simm.s32 @!p0 $0x0  }
0x12: {  	s1 =	sld [smem:$0x3F9D];
	s0 =	simm.s32 @p0 $0x1  }
0x13: {  	[smem:$0x3FB8] =	sst s0;
	s0 =	simm.s32 @!p1 $0x0  }
0x14: {  	s2 =	sld [smem:$0x3F9C];
	s0 =	simm.s32 @p1 $0x1  }
0x15: {  	[smem:$0x3FB9] =	sst s0;
	s0 =	simm.s32 @!p2 $0x0  }
0x16: {  	s3 =	sld [smem:$0x3FDB];
	s0 =	simm.s32 @p2 $0x1  }
0x17: {  	s4 =	simm.s32 $0x1BF5;
	[smem:$0x3FBB] =	sst s0  }
0x18: {  	s0 =	sld [smem:$0x3F9E];
	_ =	swait.ge [sflag:s4], $0x0  }
0x19: {  	s7 =	sld [smem:$0x3F9F]  }
0x1a: {  	s8 =	sadd.s32 $0xFFFFE003, lr  }
0x1b: {  	s9 =	sadd.s32 $0xFFFFFEF7, lr;
	s5 =	simm.s32 $0xFFFFFFFF;
	p2 =	slt.u32 s8, $0xFFFFF086  }
0x1c: {  	p1 =	slt.u32 s9, $0xF7A;
	s5 =	simm.s32 @!p2 $0x0  }
0x1d: {  	s5 =	simm.s32 @p1 $0x1;
	p0 =	seq.s32 s7, s2  }
0x1e: {  	s7 =	smul.u32 @!p0 $0xF7A, s2;
	p2 =	seq.s32 @!p0 s5, $0x0  }
0x1f: {  	s9 =	smul.u32 $0xF7A, s1;
	s8 =	simm.s32 @!p0 $0x1BF5;
	p2 =	por !p2, p0  }
0x20: {  	[sflag:s8] =	ssyncset.s32 @!p0 $0xFFFFF086;
	s6 =	sadd.s32 @!p0 s3, s7;
	s7 =	simm.s32 @!p0 $0x108  }
0x21: {  	s3 =	sadd.s32 s3, s9;
	s6 =	sadd.s32 @!p0 $0x88, s6;
	s7 =	simm.s32 @p2 $0x1082  }
0x22: {  	[simem:s7], [sflag:s8] =	dma.local @!p0 [hbm:s6], $0xF7A  }
0x23: {  	s9 =	sor.u32 $0xD0000000, s2;
	s6 =	simm.s32 $0x108;
	_ =	swait.ge @!p0 [sflag:s8], $0x0  }
0x24: {  	s3 =	sadd.s32 $0x88, s3;
	s6 =	simm.s32 @!p1 $0x1082;
	[sflag:s4] =	ssyncset.s32 $0xFFFFF086  }
0x25: {  	[simem:s6], [sflag:s4] =	dma.local [hbm:s3], $0xF7A  }
0x26: {  	[smem:$0x3F9F] =	sst s1;
	(tag) =	ssettag s2;
	_ =	strace s9  }
0x27: {  	s1 =	sld [smem:$0x3FAF]  }
0x28: {  	s2 =	sld [smem:$0x3FB0]  }
0x29: {  	s4 =	sld [smem:$0x3FB2]  }
0x2a: {  	p0 =	seq.s32 s5, $0x0;
	s5 =	sld [smem:$0x3FB3]  }
0x2b: {  	s6 =	sld [smem:$0x3FB4]  }
0x2c: {  	s7 =	sld [smem:$0x3FB5]  }
0x2d: {  	s3 =	simm.s32 $0x108;
	s8 =	sld [smem:$0x3FB6]  }
0x2e: {  	s3 =	simm.s32 @!p0 $0x1082;
	s9 =	sld [smem:$0x3FB7]  }
0x2f: {  	lr =	sadd.s32 s0, s3;
	s0 =	sld [smem:$0x3FAE]  }
0x30: {  	s3 =	sld [smem:$0x3FB1]  }
0x31: {  	[smem:$0x3FBA] =	sst s10  }
0x32: {  	s10 =	sld [smem:$0x3FB8];
	_ =	sdelay $0x3  }
0x33: {  	p0 =	seq.s32 s10, $0x1;
	s10 =	sld [smem:$0x3FBA];
	_ =	sdelay $0x3  }
0x34: {  	[smem:$0x3FBA] =	sst s10  }
0x35: {  	s10 =	sld [smem:$0x3FB9];
	_ =	sdelay $0x3  }
0x36: {  	p1 =	seq.s32 s10, $0x1;
	s10 =	sld [smem:$0x3FBA];
	_ =	sdelay $0x3  }
0x37: {  	[smem:$0x3FBA] =	sst s10  }
0x38: {  	s10 =	sld [smem:$0x3FBB]  }
0x39: {  	_ = 	snop;
	(pc) =	sbr.ind lr, $3  }
0x3a: {  	_ = 	snop  }
0x3b: {  	_ = 	snop  }
0x3c: {  	p2 =	seq.s32 s10, $0x1;
	s10 =	sld [smem:$0x3FBA]  }
0x3d: {  	_ =	shalt  }
0x3e: {  	_ =	shalt  }
0x3f: {  	_ =	shalt  }
0x40: {  	_ =	shalt  }
0x41: {  	_ =	shalt  }
0x42: {  	_ =	shalt  }
0x43: {  	_ =	shalt  }
0x44: {  	_ =	shalt  }
0x45: {  	_ =	shalt  }
0x46: {  	_ =	shalt  }
0x47: {  	_ =	shalt  }
0x48: {  	_ =	shalt  }
0x49: {  	_ =	shalt  }
0x4a: {  	_ =	shalt  }
0x4b: {  	_ =	shalt  }
0x4c: {  	_ =	shalt  }
0x4d: {  	_ =	shalt  }
0x4e: {  	_ =	shalt  }
0x4f: {  	_ =	shalt  }
0x50: {  	_ =	shalt  }
0x51: {  	_ =	shalt  }
0x52: {  	_ =	shalt  }
0x53: {  	_ =	shalt  }
0x54: {  	_ =	shalt  }
0x55: {  	_ =	shalt  }
0x56: {  	_ =	shalt  }
0x57: {  	_ =	shalt  }
0x58: {  	_ =	shalt  }
0x59: {  	_ =	shalt  }
0x5a: {  	_ =	shalt  }
0x5b: {  	_ =	shalt  }
0x5c: {  	_ =	shalt  }
0x5d: {  	_ =	shalt  }
0x5e: {  	_ =	shalt  }
0x5f: {  	_ =	shalt  }
0x60: {  	_ =	shalt  }
0x61: {  	_ =	shalt  }
0x62: {  	_ =	shalt  }
0x63: {  	_ =	shalt  }
0x64: {  	_ =	shalt  }
0x65: {  	_ =	shalt  }
0x66: {  	_ =	shalt  }
0x67: {  	_ =	shalt  }
0x68: {  	_ =	shalt  }
0x69: {  	_ =	shalt  }
0x6a: {  	_ =	shalt  }
0x6b: {  	_ =	shalt  }
0x6c: {  	_ =	shalt  }
0x6d: {  	_ =	shalt  }
0x6e: {  	_ =	shalt  }
0x6f: {  	_ =	shalt  }
0x70: {  	_ =	shalt  }
0x71: {  	_ =	shalt  }
0x72: {  	_ =	shalt  }
0x73: {  	_ =	shalt  }
0x74: {  	_ =	shalt  }
0x75: {  	_ =	shalt  }
0x76: {  	_ =	shalt  }
0x77: {  	_ =	shalt  }
0x78: {  	_ =	shalt  }
0x79: {  	_ =	shalt  }
0x7a: {  	_ =	shalt  }
0x7b: {  	_ =	shalt  }
0x7c: {  	_ =	shalt  }
0x7d: {  	_ =	shalt  }
0x7e: {  	_ =	shalt  }
0x7f: {  	_ =	shalt  }
0x80: {  	_ =	shalt  }
0x81: {  	_ =	shalt  }
0x82: {  	_ =	shalt  }
0x83: {  	_ =	shalt  }
0x84: {  	_ =	shalt  }
0x85: {  	_ =	shalt  }
0x86: {  	_ =	shalt  }
0x87: {  	_ =	shalt  }
.Lfunc_end0:
.L_simem_size_0:
called_computation_lowered:
.L_overlay_start_0:
0x88: {  	s2 =	sld [smem:$0x3FD9]  }
0x89: {  	s3 =	sld [smem:$0x3FFE];
	_ =	sdelay $0x1  }
0x8a: {  	s1 =	srdreg.scid  }
0x8b: {  	s0 =	sand.u32 $0x1, s1  }
0x8c: {  	s17 =	sshll.u32 s0, $0xA;
	s2 =	sadd.s32 s3, s2  }
0x8d: {  	s2 =	sadd.s32 s2, s17  }
0x8e: {  	[smem:$0x3FC6] =	sst s2  }
0x8f: {  	_ = 	snop  }
0x90: {  	s2 =	sld [smem:$0x3FC9]  }
0x91: {  	s18 =	sld [smem:$0x3FC8];
	(tm) =	ssettm $0x1  }
0x92: {  	s4 =	sld [smem:$0x3FFB];
	_ =	sdelay $0x3  }
0x93: {  	_ =	strace s4  }
0x94: {  	s4 =	sld [smem:$0x3FFC];
	_ =	sdelay $0x3  }
0x95: {  	_ =	strace s4  }
0x96: {  	s4 =	sld [smem:$0x3FFD];
	_ =	sdelay $0x3  }
0x97: {  	_ =	strace s4  }
0x98: {  	_ =	strace $0x8FFFFFFF  }
0x99: {  	s19 =	sld [smem:$0x3FDB];
	_ =	sdelay $0x1  }
0x9a: {  	s5 =	simm.s32 $_scs_section_size  }
0x9b: {  	s6 =	simm.s32 $_size__tile_overlayer_lowered;
	s7 =	simm.s32 $_tile_overlayer_lowered  }
0x9c: {  	s22 =	simm.s32 $0x1BFF;
	s21 =	sshll.u32 s7, $0x1;
	s4 =	sadd.s32 s5, s19  }
0x9d: {  	s8 =	simm.s32 $0x0;
	s20 =	sshll.u32 s6, $0x1;
	s6 =	sadd.s32 s21, s4  }
0x9e: {  	[timem:s8], [sflag:s22] =	dma.local [hbm:s6], s20  }
0x9f: {  	_ =	swait.ge [sflag:s22], s20  }
0xa0: {  	s5 =	ssub.s32 $0x0, s20;
	[sflag:s22] =	ssyncset.done $0x0  }
0xa1: {  	[sflag:s22] =	ssyncadd.s32 s5;
	_ =	sdelay $0x1  }
0xa2: {  	s23 =	simm.s32 $0x1B8B  }
0xa3: {  	_ =	swait.ge [sflag:s23], $0x1  }
0xa4: {  	[sflag:s23] =	ssyncset.done $0x0  }
0xa5: {  	s25 =	simm.s32 $0x1B8E;
	s24 =	sld [smem:$0x3FFE];
	[sflag:s23] =	ssyncadd.s32 $0xFFFFFFFF  }
0xa6: {  	s26 =	simm.s32 $execute0_lowered;
	[smem:$0x3FD2] =	sst s25  }
0xa7: {  	s6 =	sshll.u32 s26, $0x1;
	_ =	strace $0x80000046;
	[dreg:$0x1] =	wrdreg $0xFFFFFFFF  }
0xa8: {  	s28 =	simm.s32 $_size_execute0_lowered;
	s4 =	sadd.s32 s4, s6;
	[dreg:$0x0] =	wrdreg $0x0  }
0xa9: {  	s6 =	sshll.u32 s28, $0x1;
	[dreg:$0x2] =	wrdreg s4  }
0xaa: {  	[dreg:$0x3] =	wrdreg s6  }
0xab: {  	[dreg:$0x4] =	wrdreg $0xC0  }
0xac: {  	_ =	task [dreg:s8], $0x5FFFF  }
0xad: {  	[dreg:$0x1] =	wrdreg $0xFFFFFFFF  }
0xae: {  	[dreg:$0x0] =	wrdreg $0x60  }
0xaf: {  	[dreg:$0x2] =	wrdreg s2  }
0xb0: {  	[dreg:$0x3] =	wrdreg s18  }
0xb1: {  	[dreg:$0x4] =	wrdreg s24  }
0xb2: {  	[dreg:$0x5] =	wrdreg $0x60800  }
0xb3: {  	[dreg:$0x6] =	wrdreg $0x9  }
0xb4: {  	_ =	task.clear_ibuf [dreg:s8], $0x7FFFF;
	_ =	strace $0x90000046  }
0xb5: {  	s29 =	simm.s32 $0x9;
	_ =	strace $0x80000048  }
0xb6: {  	_ =	swait.ge [sflag:s29], $0x1  }
0xb7: {  	[sflag:s29] =	ssyncadd.s32 $0xFFFFFFFF  }
0xb8: {  	_ =	strace $0x90000048  }
0xb9: {  	_ =	sfence  }
0xba: {  	s30 =	sld [smem:$0x0];
	_ =	sdelay $0x2  }
0xbb: {  	s31 =	sshll.u32 s1, $0xD;
	s1 =	sshrl.u32 s1, $0x2  }
0xbc: {  	s3 =	sand.u32 $0x4000, s31;
	s1 =	sadd.s32 s1, s30  }
0xbd: {  	s0 =	sor.u32 s3, s0;
	s1 =	sshll.u32 s1, $0x11  }
0xbe: {  	s0 =	sor.u32 s1, s0  }
0xbf: {  	s0 =	sadd.s32 $0x8F2B, s0  }
0xc0: {  	[sflag:s0] =	ssyncadd.remote.s32 $0x1  }
0xc1: {  	_ =	sfence.sel $0xFFFF  }
0xc2: {  	[dreg:$0x0] =	wrdreg $0xFFFFFFFF;
	(pc) =	sbr.abs _section_cstart, $3  }
0xc3: {  	[dreg:$0x1] =	wrdreg $0xFFFFFFFF  }
0xc4: {  	_ =	task.clear_ibuf [dreg:s8], $0x2FFFF;
	_ =	strace $0x9FFFFFFF  }
0xc5: {  	(tm) =	ssettm $0x7FFFFFFF  }
tec
execute0_lowered:
.L_overlay_start_1:
0x0: {  	(tag) =	ssettag $0x1  }
0x1: {  	s0 =	rddreg [dreg:$0x0]  }
0x2: {  	s1 =	rddreg [dreg:$0x1]  }
0x3: {  	s2 =	rddreg [dreg:$0x2]  }
0x4: {  	s20 =	rddreg [dreg:$0x3]  }
0x5: {  	s3 =	srdreg.scid;
	s4 =	stileid.u32  }
0x6: {  	s5 =	sand.u32 $0x1, s3;
	s3 =	simm.s32 $0x0;
	s6 =	sshll.u32 s4, $0xC  }
0x7: {  	s7 =	sshll.u32 s5, $0xB;
	[smem:$0x7FF] =	sst s3;
	s25 =	ssub.s32 $0x2, s5  }
0x8: {  	s5 =	sadd.s32 $0x10, s0;
	s11 =	sor.u32 s7, s6;
	s9 =	sshrl.u32 s25, $0x1  }
0x9: {  	_ =	strace $0x80000047;
	s6 =	sshrl.u32 s11, $0x3;
	s26 =	ssub.s32 s25, s9  }
0xa: {  	s10 =	sshrl.u32 s11, $0x2;
	[dreg:$0x5] =	wrdreg s11;
	s0 =	smax.u32 s26, $0x1  }
0xb: {  	s8 =	sadd.s32 s6, s2;
	s9 =	sadd.s32 s10, s5;
	[dreg:$0xb] =	wrdreg s0  }
0xc: {  	s2 =	sadd.s32 s7, s2;
	s13 =	sadd.s32 s1, s6;
	[dreg:$0x6] =	wrdreg s9  }
0xd: {  	s2 =	sadd.s32 $0x4200, s2;
	[dreg:$0x7] =	wrdreg s13  }
0xe: {  	s16 =	sadd.s32 $0x20, s9;
	[dreg:$0xa] =	wrdreg s2  }
0xf: {  	s17 =	sadd.s32 $0x40, s9;
	[dreg:$0xc] =	wrdreg s16  }
0x10: {  	s18 =	sadd.s32 $0x60, s9;
	[dreg:$0xd] =	wrdreg s17  }
0x11: {  	s19 =	sadd.s32 $0x80, s9;
	[dreg:$0xe] =	wrdreg s18  }
0x12: {  	s21 =	sadd.s32 $0xA0, s9;
	[dreg:$0xf] =	wrdreg s19  }
0x13: {  	s22 =	sadd.s32 $0xC0, s9;
	[dreg:$0x10] =	wrdreg s21  }
0x14: {  	p0 =	sne.s32 s4, $0x0;
	s23 =	sadd.s32 $0xE0, s9;
	[dreg:$0x11] =	wrdreg s22  }
0x15: {  	s14 =	sor.u32 $0x10000, s11;
	s24 =	sadd.s32 $0x100, s9;
	[dreg:$0x12] =	wrdreg s23  }
0x16: {  	s15 =	sshrl.u32 s14, $0x2;
	s25 =	sadd.s32 $0x120, s9;
	[dreg:$0x13] =	wrdreg s24  }
0x17: {  	s10 =	sor.u32 $0x30000, s11;
	s26 =	sadd.s32 $0x140, s9;
	[dreg:$0x14] =	wrdreg s25  }
0x18: {  	s11 =	sadd.s32 $0x200, s8;
	s4 =	sadd.s32 $0x180, s9;
	[dreg:$0x15] =	wrdreg s26  }
0x19: {  	s12 =	sadd.s32 $0x2200, s8;
	s8 =	sadd.s32 $0x1A0, s9;
	[dreg:$0x17] =	wrdreg s4  }
0x1a: {  	s7 =	sshrl.u32 s14, $0x3;
	s14 =	sadd.s32 $0x1C0, s9;
	[dreg:$0x18] =	wrdreg s8  }
0x1b: {  	s6 =	sadd.s32 s15, s5;
	s15 =	sadd.s32 $0x1E0, s9;
	[dreg:$0x19] =	wrdreg s14  }
0x1c: {  	[dreg:$0x1a] =	wrdreg s15  }
0x1d: {  	s7 =	sadd.s32 s1, s7;
	[dreg:$0x8] =	wrdreg s6  }
0x1e: {  	s2 =	sadd.s32 $0x160, s9;
	[dreg:$0x9] =	wrdreg s7  }
0x1f: {  	s16 =	sadd.s32 $0x10, s13;
	[dreg:$0x16] =	wrdreg s2  }
0x20: {  	s17 =	sadd.s32 $0x20, s13;
	[dreg:$0x1b] =	wrdreg s16  }
0x21: {  	s18 =	sadd.s32 $0x30, s13;
	[dreg:$0x1c] =	wrdreg s17  }
0x22: {  	s19 =	sadd.s32 $0x40, s13;
	[dreg:$0x1d] =	wrdreg s18  }
0x23: {  	s21 =	sadd.s32 $0x50, s13;
	[dreg:$0x1e] =	wrdreg s19  }
0x24: {  	s22 =	sadd.s32 $0x60, s13;
	[dreg:$0x1f] =	wrdreg s21  }
0x25: {  	s23 =	sadd.s32 $0x70, s13;
	[smem:$0x7D6] =	sst s22  }
0x26: {  	s24 =	sadd.s32 $0x80, s13;
	[smem:$0x7D7] =	sst s23  }
0x27: {  	s25 =	sadd.s32 $0x90, s13;
	[smem:$0x7D8] =	sst s24  }
0x28: {  	s26 =	sadd.s32 $0xA0, s13;
	[smem:$0x7D9] =	sst s25  }
0x29: {  	s4 =	sadd.s32 $0xC0, s13;
	[smem:$0x7DA] =	sst s26  }
0x2a: {  	s8 =	sadd.s32 $0xD0, s13;
	[smem:$0x7DC] =	sst s4  }
0x2b: {  	s9 =	sadd.s32 $0xE0, s13;
	[smem:$0x7DD] =	sst s8  }
0x2c: {  	s14 =	sadd.s32 $0x20, s6;
	[smem:$0x7DE] =	sst s9  }
0x2d: {  	s15 =	sadd.s32 $0x40, s6;
	[smem:$0x7E0] =	sst s14  }
0x2e: {  	s2 =	sadd.s32 $0xB0, s13;
	[smem:$0x7E1] =	sst s15  }
0x2f: {  	s13 =	sadd.s32 $0xF0, s13;
	[smem:$0x7DB] =	sst s2  }
0x30: {  	s16 =	sadd.s32 $0x60, s6;
	[smem:$0x7DF] =	sst s13  }
0x31: {  	s17 =	sadd.s32 $0x80, s6;
	[smem:$0x7E2] =	sst s16  }
0x32: {  	s18 =	sadd.s32 $0xA0, s6;
	[smem:$0x7E3] =	sst s17  }
0x33: {  	s19 =	sadd.s32 $0xC0, s6;
	[smem:$0x7E4] =	sst s18  }
0x34: {  	s21 =	sadd.s32 $0xE0, s6;
	[smem:$0x7E5] =	sst s19  }
0x35: {  	s22 =	sadd.s32 $0x100, s6;
	[smem:$0x7E6] =	sst s21  }
0x36: {  	s23 =	sadd.s32 $0x120, s6;
	[smem:$0x7E7] =	sst s22  }
0x37: {  	s24 =	sadd.s32 $0x140, s6;
	[smem:$0x7E8] =	sst s23  }
0x38: {  	s25 =	sadd.s32 $0x160, s6;
	[smem:$0x7E9] =	sst s24  }
0x39: {  	s26 =	sadd.s32 $0x180, s6;
	[smem:$0x7EA] =	sst s25  }
0x3a: {  	s4 =	sadd.s32 $0x1C0, s6;
	[smem:$0x7EB] =	sst s26  }
0x3b: {  	s8 =	sadd.s32 $0x10, s7;
	[smem:$0x7ED] =	sst s4  }
0x3c: {  	s9 =	sadd.s32 $0x20, s7;
	[smem:$0x7EF] =	sst s8  }
0x3d: {  	s14 =	sadd.s32 $0x40, s7;
	[smem:$0x7F0] =	sst s9  }
0x3e: {  	s15 =	sadd.s32 $0x50, s7;
	[smem:$0x7F2] =	sst s14  }
0x3f: {  	s2 =	sadd.s32 $0x1A0, s6;
	[smem:$0x7F3] =	sst s15  }
0x40: {  	s6 =	sadd.s32 $0x1E0, s6;
	[smem:$0x7EC] =	sst s2  }
0x41: {  	s13 =	sadd.s32 $0x30, s7;
	[smem:$0x7EE] =	sst s6  }
0x42: {  	s16 =	sadd.s32 $0x60, s7;
	[smem:$0x7F1] =	sst s13  }
0x43: {  	s31 =	simm.s32 $0x5280;
	s17 =	sadd.s32 $0x70, s7;
	[smem:$0x7F4] =	sst s16  }
0x44: {  	s28 =	simm.s32 $0x5480;
	s18 =	sadd.s32 $0x80, s7;
	[smem:$0x7F5] =	sst s17  }
0x45: {  	s29 =	simm.s32 $0x5880;
	s19 =	sadd.s32 $0x90, s7;
	[smem:$0x7F6] =	sst s18  }
0x46: {  	s30 =	simm.s32 $0x1;
	s21 =	sadd.s32 $0xA0, s7;
	[smem:$0x7F7] =	sst s19  }
0x47: {  	s0 =	simm.s32 $0x5680;
	s22 =	sadd.s32 $0xB0, s7;
	[smem:$0x7F8] =	sst s21  }
0x48: {  	s23 =	sadd.s32 $0xC0, s7;
	s24 =	sadd.s32 $0xD0, s7;
	[smem:$0x7F9] =	sst s22  }
0x49: {  	s25 =	sadd.s32 $0xE0, s7;
	s26 =	sadd.s32 $0xF0, s7;
	[smem:$0x7FA] =	sst s23  }
0x4a: {  	s7 =	simm.s32 $0x5980;
	s8 =	simm.s32 $0x5B80;
	[smem:$0x7FB] =	sst s24  }
0x4b: {  	s9 =	simm.s32 $0x5D80;
	s14 =	simm.s32 $0x5E80;
	[smem:$0x7FC] =	sst s25  }
0x4c: {  	v0 =	vlaneseq.u32;
	s4 =	simm.s32 $0x5F80;
	[smem:$0x7FD] =	sst s26;
	s22 =	simm.s32 $0x5D00  }
0x4d: {  	v1 =	vimm.f32 $0.0e+00;
	v2 =	vor.u32 $0x10, v0;
	s23 =	simm.s32 $0x5E00;
	s24 =	simm.s32 $0x5F00;
	s17 =	simm.s32 $0x5380  }
0x4e: {  	v3 =	vor.u32 $0x20, v0;
	v4 =	vor.u32 $0x30, v0;
	v5 =	vor.u32 $0x40, v0;
	s2 =	simm.s32 $0x5580;
	s6 =	simm.s32 $0x5780;
	s13 =	simm.s32 $0x5A80  }
0x4f: {  	v6 =	vor.u32 $0x50, v0;
	v7 =	vor.u32 $0x60, v0;
	v8 =	vor.u32 $0x70, v0;
	s25 =	simm.s32 $0x5C80;
	s18 =	simm.s32 $0x2;
	s16 =	simm.s32 $0x0  }
.LBB2_1:
0x50: {  	[smem:$0x7D5] =	sst s16  }
0x51: {  	s15 =	rddreg [dreg:$0x6]  }
0x52: {  	s19 =	simm.s32 $0x4000;
	s21 =	rddreg [dreg:$0xc]  }
0x53: {  	[tilespmem:s19], [sflag:$0x1] =	stream.linear.gather [hbm4b:s15+s3], $0x80, $0x38;
	[tilespmem:$0x6480] =	vst v63  }
0x54: {  	s26 =	simm.s32 $0x4100;
	s16 =	rddreg [dreg:$0xd]  }
0x55: {  	[tilespmem:s26], [sflag:$0x1] =	stream.linear.gather [hbm4b:s21+s3], $0x80, $0x38;
	[tilespmem:$0x6480] =	vst v63  }
0x56: {  	s19 =	simm.s32 $0x4200;
	s21 =	rddreg [dreg:$0xe]  }
0x57: {  	[tilespmem:s19], [sflag:$0x1] =	stream.linear.gather [hbm4b:s16+s3], $0x80, $0x38;
	[tilespmem:$0x6480] =	vst v63  }
0x58: {  	s26 =	simm.s32 $0x4300;
	s16 =	rddreg [dreg:$0xf]  }
0x59: {  	[tilespmem:s26], [sflag:$0x1] =	stream.linear.gather [hbm4b:s21+s3], $0x80, $0x38;
	[tilespmem:$0x6480] =	vst v63  }
0x5a: {  	s19 =	simm.s32 $0x4400;
	s21 =	rddreg [dreg:$0x10]  }
0x5b: {  	[tilespmem:s19], [sflag:$0x1] =	stream.linear.gather [hbm4b:s16+s3], $0x80, $0x38;
	[tilespmem:$0x6480] =	vst v63  }
0x5c: {  	s26 =	simm.s32 $0x4500;
	s16 =	rddreg [dreg:$0x11]  }
0x5d: {  	[tilespmem:s26], [sflag:$0x1] =	stream.linear.gather [hbm4b:s21+s3], $0x80, $0x38;
	[tilespmem:$0x6480] =	vst v63  }
0x5e: {  	s19 =	simm.s32 $0x4600;
	s21 =	rddreg [dreg:$0x12]  }
0x5f: {  	[tilespmem:s19], [sflag:$0x1] =	stream.linear.gather [hbm4b:s16+s3], $0x80, $0x38;
	[tilespmem:$0x6480] =	vst v63  }
0x60: {  	s26 =	simm.s32 $0x4700;
	s16 =	rddreg [dreg:$0x13]  }
0x61: {  	[tilespmem:s26], [sflag:$0x1] =	stream.linear.gather [hbm4b:s21+s3], $0x80, $0x38;
	[tilespmem:$0x6480] =	vst v63  }
0x62: {  	s19 =	simm.s32 $0x4800;
	s21 =	rddreg [dreg:$0x14]  }
0x63: {  	[tilespmem:s19], [sflag:$0x1] =	stream.linear.gather [hbm4b:s16+s3], $0x80, $0x38;
	[tilespmem:$0x6480] =	vst v63  }
0x64: {  	s26 =	simm.s32 $0x4900;
	s16 =	rddreg [dreg:$0x15]  }
0x65: {  	[tilespmem:s26], [sflag:$0x1] =	stream.linear.gather [hbm4b:s21+s3], $0x80, $0x38;
	[tilespmem:$0x6480] =	vst v63  }
0x66: {  	s19 =	simm.s32 $0x4A00;
	s21 =	rddreg [dreg:$0x16]  }
0x67: {  	[tilespmem:s19], [sflag:$0x1] =	stream.linear.gather [hbm4b:s16+s3], $0x80, $0x38;
	[tilespmem:$0x6480] =	vst v63  }
0x68: {  	s26 =	simm.s32 $0x4B00;
	s16 =	rddreg [dreg:$0x17]  }
0x69: {  	[tilespmem:s26], [sflag:$0x1] =	stream.linear.gather [hbm4b:s21+s3], $0x80, $0x38;
	[tilespmem:$0x6480] =	vst v63  }
0x6a: {  	s19 =	simm.s32 $0x4C00;
	s21 =	rddreg [dreg:$0x18]  }
0x6b: {  	[tilespmem:s19], [sflag:$0x1] =	stream.linear.gather [hbm4b:s16+s3], $0x80, $0x38;
	[tilespmem:$0x6480] =	vst v63  }
0x6c: {  	s26 =	simm.s32 $0x4D00;
	s16 =	rddreg [dreg:$0x19]  }
0x6d: {  	[tilespmem:s26], [sflag:$0x1] =	stream.linear.gather [hbm4b:s21+s3], $0x80, $0x38;
	[tilespmem:$0x6480] =	vst v63  }
0x6e: {  	s19 =	simm.s32 $0x4E00;
	s21 =	rddreg [dreg:$0x1a]  }
0x6f: {  	[tilespmem:s19], [sflag:$0x1] =	stream.linear.gather [hbm4b:s16+s3], $0x80, $0x38;
	[tilespmem:$0x6480] =	vst v63  }
0x70: {  	s26 =	simm.s32 $0x4F00;
	s16 =	rddreg [dreg:$0x7]  }
0x71: {  	[tilespmem:s26], [sflag:$0x1] =	stream.linear.gather [hbm4b:s21+s3], $0x80, $0x38;
	[tilespmem:$0x6480] =	vst v63  }
0x72: {  	s19 =	simm.s32 $0x5000;
	s21 =	rddreg [dreg:$0x1b]  }
0x73: {  	[tilespmem:s19], [sflag:$0x1] =	stream.linear.gather [hbm4b:s16+s3], $0x80, $0x38;
	[tilespmem:$0x6480] =	vst v63  }
0x74: {  	s26 =	simm.s32 $0x5100;
	s16 =	rddreg [dreg:$0x1c]  }
0x75: {  	[tilespmem:s26], [sflag:$0x1] =	stream.linear.gather [hbm4b:s21+s3], $0x80, $0x38;
	[tilespmem:$0x6480] =	vst v63  }
0x76: {  	s19 =	simm.s32 $0x5200;
	s21 =	rddreg [dreg:$0x1d]  }
0x77: {  	[tilespmem:s19], [sflag:$0x1] =	stream.linear.gather [hbm4b:s16+s3], $0x80, $0x38;
	[tilespmem:$0x6480] =	vst v63  }
0x78: {  	s26 =	simm.s32 $0x5300;
	s16 =	rddreg [dreg:$0x1e]  }
0x79: {  	[tilespmem:s26], [sflag:$0x1] =	stream.linear.gather [hbm4b:s21+s3], $0x80, $0x38;
	[tilespmem:$0x6480] =	vst v63  }
0x7a: {  	s19 =	simm.s32 $0x5400;
	s21 =	rddreg [dreg:$0x1f]  }
0x7b: {  	[tilespmem:s19], [sflag:$0x1] =	stream.linear.gather [hbm4b:s16+s3], $0x80, $0x38;
	[tilespmem:$0x6480] =	vst v63  }
0x7c: {  	s26 =	simm.s32 $0x5500;
	s16 =	sld [smem:$0x7D6]  }
0x7d: {  	[tilespmem:s26], [sflag:$0x1] =	stream.linear.gather [hbm4b:s21+s3], $0x80, $0x38;
	[tilespmem:$0x6480] =	vst v63  }
0x7e: {  	s19 =	simm.s32 $0x5600;
	s21 =	sld [smem:$0x7D7]  }
0x7f: {  	[tilespmem:s19], [sflag:$0x1] =	stream.linear.gather [hbm4b:s16+s3], $0x80, $0x38;
	[tilespmem:$0x6480] =	vst v63  }
0x80: {  	s26 =	simm.s32 $0x5700;
	s16 =	sld [smem:$0x7D8]  }
0x81: {  	[tilespmem:s26], [sflag:$0x1] =	stream.linear.gather [hbm4b:s21+s3], $0x80, $0x38;
	[tilespmem:$0x6480] =	vst v63  }
0x82: {  	s19 =	simm.s32 $0x5800;
	s21 =	sld [smem:$0x7D9]  }
0x83: {  	[tilespmem:s19], [sflag:$0x1] =	stream.linear.gather [hbm4b:s16+s3], $0x80, $0x38;
	[tilespmem:$0x6480] =	vst v63  }
0x84: {  	s26 =	simm.s32 $0x5900;
	s16 =	sld [smem:$0x7DA]  }
0x85: {  	[tilespmem:s26], [sflag:$0x1] =	stream.linear.gather [hbm4b:s21+s3], $0x80, $0x38;
	[tilespmem:$0x6480] =	vst v63  }
0x86: {  	s19 =	simm.s32 $0x5A00;
	s21 =	sld [smem:$0x7DB]  }
0x87: {  	[tilespmem:s19], [sflag:$0x1] =	stream.linear.gather [hbm4b:s16+s3], $0x80, $0x38;
	[tilespmem:$0x6480] =	vst v63  }
0x88: {  	s26 =	simm.s32 $0x5B00;
	s19 =	sld [smem:$0x7DC]  }
0x89: {  	[tilespmem:s26], [sflag:$0x1] =	stream.linear.gather [hbm4b:s21+s3], $0x80, $0x38;
	[tilespmem:$0x6480] =	vst v63  }
0x8a: {  	s21 =	simm.s32 $0x5C00;
	s26 =	sld [smem:$0x7DD]  }
0x8b: {  	[tilespmem:s21], [sflag:$0x1] =	stream.linear.gather [hbm4b:s19+s3], $0x80, $0x38;
	[tilespmem:$0x6480] =	vst v63  }
0x8c: {  	s16 =	sld [smem:$0x7DE]  }
0x8d: {  	[tilespmem:s22], [sflag:$0x1] =	stream.linear.gather [hbm4b:s26+s3], $0x80, $0x38;
	[tilespmem:$0x6480] =	vst v63  }
0x8e: {  	s19 =	sld [smem:$0x7DF]  }
0x8f: {  	[tilespmem:s23], [sflag:$0x1] =	stream.linear.gather [hbm4b:s16+s3], $0x80, $0x38;
	[tilespmem:$0x6480] =	vst v63  }
0x90: {  	s21 =	rddreg [dreg:$0x8]  }
0x91: {  	[tilespmem:s24], [sflag:$0x1] =	stream.linear.gather [hbm4b:s19+s3], $0x80, $0x38;
	[tilespmem:$0x6480] =	vst v63  }
0x92: {  	s26 =	simm.s32 $0x4080;
	s16 =	sld [smem:$0x7E0]  }
0x93: {  	[tilespmem:s26], [sflag:$0x2] =	stream.linear.gather [hbm4b:s21+s3], $0x80, $0x38;
	[tilespmem:$0x6480] =	vst v63  }
0x94: {  	s19 =	simm.s32 $0x4180;
	s21 =	sld [smem:$0x7E1]  }
0x95: {  	[tilespmem:s19], [sflag:$0x2] =	stream.linear.gather [hbm4b:s16+s3], $0x80, $0x38;
	[tilespmem:$0x6480] =	vst v63  }
0x96: {  	s26 =	simm.s32 $0x4280;
	s16 =	sld [smem:$0x7E2]  }
0x97: {  	[tilespmem:s26], [sflag:$0x2] =	stream.linear.gather [hbm4b:s21+s3], $0x80, $0x38;
	[tilespmem:$0x6480] =	vst v63  }
0x98: {  	s19 =	simm.s32 $0x4380;
	s21 =	sld [smem:$0x7E3]  }
0x99: {  	[tilespmem:s19], [sflag:$0x2] =	stream.linear.gather [hbm4b:s16+s3], $0x80, $0x38;
	[tilespmem:$0x6480] =	vst v63  }
0x9a: {  	s26 =	simm.s32 $0x4480;
	s16 =	sld [smem:$0x7E4]  }
0x9b: {  	[tilespmem:s26], [sflag:$0x2] =	stream.linear.gather [hbm4b:s21+s3], $0x80, $0x38;
	[tilespmem:$0x6480] =	vst v63  }
0x9c: {  	s19 =	simm.s32 $0x4580;
	s21 =	sld [smem:$0x7E5]  }
0x9d: {  	[tilespmem:s19], [sflag:$0x2] =	stream.linear.gather [hbm4b:s16+s3], $0x80, $0x38;
	[tilespmem:$0x6480] =	vst v63  }
0x9e: {  	s26 =	simm.s32 $0x4680;
	s16 =	sld [smem:$0x7E6]  }
0x9f: {  	[tilespmem:s26], [sflag:$0x2] =	stream.linear.gather [hbm4b:s21+s3], $0x80, $0x38;
	[tilespmem:$0x6480] =	vst v63  }
0xa0: {  	s19 =	simm.s32 $0x4780;
	s21 =	sld [smem:$0x7E7]  }
0xa1: {  	[tilespmem:s19], [sflag:$0x2] =	stream.linear.gather [hbm4b:s16+s3], $0x80, $0x38;
	[tilespmem:$0x6480] =	vst v63  }
0xa2: {  	s26 =	simm.s32 $0x4880;
	s16 =	sld [smem:$0x7E8]  }
0xa3: {  	[tilespmem:s26], [sflag:$0x2] =	stream.linear.gather [hbm4b:s21+s3], $0x80, $0x38;
	[tilespmem:$0x6480] =	vst v63  }
0xa4: {  	s19 =	simm.s32 $0x4980;
	s21 =	sld [smem:$0x7E9]  }
0xa5: {  	[tilespmem:s19], [sflag:$0x2] =	stream.linear.gather [hbm4b:s16+s3], $0x80, $0x38;
	[tilespmem:$0x6480] =	vst v63  }
0xa6: {  	s26 =	simm.s32 $0x4A80;
	s16 =	sld [smem:$0x7EA]  }
0xa7: {  	[tilespmem:s26], [sflag:$0x2] =	stream.linear.gather [hbm4b:s21+s3], $0x80, $0x38;
	[tilespmem:$0x6480] =	vst v63  }
0xa8: {  	s19 =	simm.s32 $0x4B80;
	s21 =	sld [smem:$0x7EB]  }
0xa9: {  	[tilespmem:s19], [sflag:$0x2] =	stream.linear.gather [hbm4b:s16+s3], $0x80, $0x38;
	[tilespmem:$0x6480] =	vst v63  }
0xaa: {  	s26 =	simm.s32 $0x4C80;
	s16 =	sld [smem:$0x7EC]  }
0xab: {  	[tilespmem:s26], [sflag:$0x2] =	stream.linear.gather [hbm4b:s21+s3], $0x80, $0x38;
	[tilespmem:$0x6480] =	vst v63  }
0xac: {  	s19 =	simm.s32 $0x4D80;
	s21 =	sld [smem:$0x7ED]  }
0xad: {  	[tilespmem:s19], [sflag:$0x2] =	stream.linear.gather [hbm4b:s16+s3], $0x80, $0x38;
	[tilespmem:$0x6480] =	vst v63  }
0xae: {  	s26 =	simm.s32 $0x4E80;
	s16 =	sld [smem:$0x7EE]  }
0xaf: {  	[tilespmem:s26], [sflag:$0x2] =	stream.linear.gather [hbm4b:s21+s3], $0x80, $0x38;
	[tilespmem:$0x6480] =	vst v63  }
0xb0: {  	s19 =	simm.s32 $0x4F80;
	s21 =	rddreg [dreg:$0x9]  }
0xb1: {  	[tilespmem:s19], [sflag:$0x2] =	stream.linear.gather [hbm4b:s16+s3], $0x80, $0x38;
	[tilespmem:$0x6480] =	vst v63  }
0xb2: {  	s26 =	simm.s32 $0x5080;
	s16 =	sld [smem:$0x7EF]  }
0xb3: {  	[tilespmem:s26], [sflag:$0x2] =	stream.linear.gather [hbm4b:s21+s3], $0x80, $0x38;
	[tilespmem:$0x6480] =	vst v63  }
0xb4: {  	s19 =	simm.s32 $0x5180;
	s21 =	sld [smem:$0x7F0]  }
0xb5: {  	[tilespmem:s19], [sflag:$0x2] =	stream.linear.gather [hbm4b:s16+s3], $0x80, $0x38;
	[tilespmem:$0x6480] =	vst v63  }
0xb6: {  	s26 =	sld [smem:$0x7F1]  }
0xb7: {  	[tilespmem:s31], [sflag:$0x2] =	stream.linear.gather [hbm4b:s21+s3], $0x80, $0x38;
	[tilespmem:$0x6480] =	vst v63  }
0xb8: {  	s16 =	sld [smem:$0x7F2]  }
0xb9: {  	[tilespmem:s17], [sflag:$0x2] =	stream.linear.gather [hbm4b:s26+s3], $0x80, $0x38;
	[tilespmem:$0x6480] =	vst v63  }
0xba: {  	s19 =	sld [smem:$0x7F3]  }
0xbb: {  	[tilespmem:s28], [sflag:$0x2] =	stream.linear.gather [hbm4b:s16+s3], $0x80, $0x38;
	[tilespmem:$0x6480] =	vst v63  }
0xbc: {  	s21 =	sld [smem:$0x7F4]  }
0xbd: {  	[tilespmem:s2], [sflag:$0x2] =	stream.linear.gather [hbm4b:s19+s3], $0x80, $0x38;
	[tilespmem:$0x6480] =	vst v63  }
0xbe: {  	s26 =	sld [smem:$0x7F5]  }
0xbf: {  	[tilespmem:s0], [sflag:$0x2] =	stream.linear.gather [hbm4b:s21+s3], $0x80, $0x38;
	[tilespmem:$0x6480] =	vst v63  }
0xc0: {  	s16 =	sld [smem:$0x7F6]  }
0xc1: {  	[tilespmem:s6], [sflag:$0x2] =	stream.linear.gather [hbm4b:s26+s3], $0x80, $0x38;
	[tilespmem:$0x6480] =	vst v63  }
0xc2: {  	s19 =	sld [smem:$0x7F7]  }
0xc3: {  	[tilespmem:s29], [sflag:$0x2] =	stream.linear.gather [hbm4b:s16+s3], $0x80, $0x38;
	[tilespmem:$0x6480] =	vst v63  }
0xc4: {  	s21 =	sld [smem:$0x7F8]  }
0xc5: {  	[tilespmem:s7], [sflag:$0x2] =	stream.linear.gather [hbm4b:s19+s3], $0x80, $0x38;
	[tilespmem:$0x6480] =	vst v63  }
0xc6: {  	s26 =	sld [smem:$0x7F9]  }
0xc7: {  	[tilespmem:s13], [sflag:$0x2] =	stream.linear.gather [hbm4b:s21+s3], $0x80, $0x38;
	[tilespmem:$0x6480] =	vst v63  }
0xc8: {  	s16 =	sld [smem:$0x7FA]  }
0xc9: {  	[tilespmem:s8], [sflag:$0x2] =	stream.linear.gather [hbm4b:s26+s3], $0x80, $0x38;
	[tilespmem:$0x6480] =	vst v63  }
0xca: {  	s19 =	sld [smem:$0x7FB]  }
0xcb: {  	[tilespmem:s25], [sflag:$0x2] =	stream.linear.gather [hbm4b:s16+s3], $0x80, $0x38;
	[tilespmem:$0x6480] =	vst v63  }
0xcc: {  	s21 =	sld [smem:$0x7FC]  }
0xcd: {  	[tilespmem:s9], [sflag:$0x2] =	stream.linear.gather [hbm4b:s19+s3], $0x80, $0x38;
	[tilespmem:$0x6480] =	vst v63  }
0xce: {  	s26 =	sld [smem:$0x7FD]  }
0xcf: {  	[tilespmem:s14], [sflag:$0x2] =	stream.linear.gather [hbm4b:s21+s3], $0x80, $0x38;
	[tilespmem:$0x6480] =	vst v63  }
0xd0: {  	s15 =	simm.s32 $0x0;
	s19 =	simm.s32 $0x200  }
0xd1: {  	[tilespmem:s4], [sflag:$0x2] =	stream.linear.gather [hbm4b:s26+s3], $0x80, $0x38;
	[tilespmem:$0x6480] =	vst v63  }
.LBB2_2:
0xd2: {  	p1 =	sne.s32 s19, $0xFE00;
	[tilespmem:s15+$0x70] =	vst v1  }
0xd3: {  	[tilespmem:s15+$0x0] =	vst v1  }
0xd4: {  	[tilespmem:s15+$0x10] =	vst v1  }
.Ltmp0:
0xd5: {  	[tilespmem:s15+$0x20] =	vst v1;
	(pc) =	sbr.rel @p1 .LBB2_2-.Ltmp0, $4  }
0xd6: {  	[tilespmem:s15+$0x30] =	vst v1  }
0xd7: {  	[tilespmem:s15+$0x40] =	vst v1  }
0xd8: {  	[tilespmem:s15+$0x50] =	vst v1  }
0xd9: {  	[tilespmem:s15+$0x60] =	vst v1;
	s15 =	sshra.s32 s19, $0x2;
	s19 =	sadd.s32 $0x200, s19  }
0xda: {  	[tilespmem:s15+$0x70] =	vst v1  }
0xdb: {  	[tilespmem:s15+$0x0] =	vst v1  }
0xdc: {  	[tilespmem:s15+$0x10] =	vst v1  }
0xdd: {  	[tilespmem:s15+$0x20] =	vst v1  }
0xde: {  	[tilespmem:s15+$0x30] =	vst v1  }
0xdf: {  	[tilespmem:s15+$0x40] =	vst v1  }
0xe0: {  	[tilespmem:s15+$0x50] =	vst v1  }
0xe1: {  	[tilespmem:s15+$0x60] =	vst v1;
	s15 =	simm.s32 @!p0 $0x0  }
0xe2: {  	[spmem:s20] =	stream.linear.scatter @!p0 [tilespmem:s15], [sflag:$0x3], $0x4000, $0x38;
	[tilespmem:$0x6480] =	vst v63  }
0xe3: {  	s15 =	simm.s32 @!p0 $0x3  }
0xe4: {  	_ =	swait.ge @!p0 [sflag:s15], $0x4000  }
0xe5: {  	[sflag:s15] =	ssyncset.done @!p0 $0x0  }
0xe6: {  	[sflag:s15] =	ssyncadd.s32 @!p0 $0xFFFFC000  }
0xe7: {  	[tilespmem:$0x6000] =	vst v0  }
0xe8: {  	[tilespmem:$0x6010] =	vst v2  }
0xe9: {  	[tilespmem:$0x6020] =	vst v3  }
0xea: {  	[tilespmem:$0x6030] =	vst v4  }
0xeb: {  	[tilespmem:$0x6040] =	vst v5  }
0xec: {  	[tilespmem:$0x6050] =	vst v6  }
0xed: {  	[tilespmem:$0x6060] =	vst v7  }
0xee: {  	s15 =	simm.s32 $0x0;
	[tilespmem:$0x6070] =	vst v8  }
.LBB2_4:
0xef: {  	_ =	swait.ge [sflag:s30], $0x800  }
0xf0: {  	[sflag:s30] =	ssyncset.done $0x0  }
0xf1: {  	[sflag:s30] =	ssyncadd.s32 $0xFFFFF800  }
0xf2: {  	_ =	swait.ge [sflag:s30], $0x800  }
0xf3: {  	[sflag:s30] =	ssyncset.done $0x0  }
0xf4: {  	s20 =	simm.s32 $0x4040;
	[sflag:s30] =	ssyncadd.s32 $0xFFFFF800  }
0xf5: {  	v9 =	vld [tilespmem:s20+$0x30]  }
0xf6: {  	v10 =	vld [tilespmem:s20+$0xFFFFFFD0]  }
0xf7: {  	s19 =	simm.s32 $0x5040;
	v11 =	vld [tilespmem:s20+$0xFFFFFFE0]  }
0xf8: {  	v12 =	vld [tilespmem:s19+$0x30]  }
0xf9: {  	v13 =	vld [tilespmem:s20+$0xFFFFFFF0]  }
0xfa: {  	v14 =	vld [tilespmem:s20+$0x0]  }
0xfb: {  	v15 =	vld [tilespmem:s20+$0x10]  }
0xfc: {  	v16 =	vld [tilespmem:s20+$0x20]  }
0xfd: {  	v63 =	vld [tilespmem:s19+$0xFFFFFFC0]  }
0xfe: {  	v17 =	vld [tilespmem:s19+$0xFFFFFFD0]  }
0xff: {  	v18 =	vld [tilespmem:s19+$0xFFFFFFE0]  }
0x100: {  	v19 =	vld [tilespmem:s19+$0xFFFFFFF0]  }
0x101: {  	v20 =	vld [tilespmem:s19+$0x0]  }
0x102: {  	v21 =	vld [tilespmem:s19+$0x10]  }
0x103: {  	[tilespmem:v9+s3+$0x0] =	vst.idx.add.f32.msk $0xffff, v12  }
0x104: {  	v9 =	vld [tilespmem:s20+$0xFFFFFFC0]  }
0x105: {  	v22 =	vld [tilespmem:s19+$0x20]  }
0x106: {  	[tilespmem:v10+s3+$0x0] =	vst.idx.add.f32.msk $0xffff, v17  }
0x107: {  	[tilespmem:v11+s3+$0x0] =	vst.idx.add.f32.msk $0xffff, v18  }
0x108: {  	[tilespmem:v13+s3+$0x0] =	vst.idx.add.f32.msk $0xffff, v19  }
0x109: {  	[tilespmem:v14+s3+$0x0] =	vst.idx.add.f32.msk $0xffff, v20  }
0x10a: {  	[tilespmem:v15+s3+$0x0] =	vst.idx.add.f32.msk $0xffff, v21  }
0x10b: {  	[tilespmem:v16+s3+$0x0] =	vst.idx.add.f32.msk $0xffff, v22  }
0x10c: {  	s26 =	simm.s32 $0x0;
	s20 =	simm.s32 $0x4140;
	[tilespmem:v9+s3+$0x0] =	vst.idx.add.f32.msk $0xffff, v63  }
.LBB2_5:
0x10d: {  	v9 =	vld [tilespmem:s20+$0x30];
	s26 =	sadd.s32 $0x80, s26  }
0x10e: {  	v10 =	vld [tilespmem:s20+$0xFFFFFFD0];
	p1 =	slt.u32 s26, $0x780  }
0x10f: {  	s19 =	sadd.s32 $0x100, s19;
	v11 =	vld [tilespmem:s20+$0xFFFFFFE0]  }
0x110: {  	v12 =	vld [tilespmem:s19+$0x30]  }
0x111: {  	v13 =	vld [tilespmem:s20+$0xFFFFFFF0]  }
0x112: {  	v14 =	vld [tilespmem:s20+$0x0]  }
0x113: {  	v15 =	vld [tilespmem:s20+$0x10]  }
0x114: {  	v16 =	vld [tilespmem:s20+$0x20]  }
0x115: {  	[tilespmem:v9+s3+$0x0] =	vst.idx.add.f32.msk $0xffff, v12  }
0x116: {  	v9 =	vld [tilespmem:s20+$0xFFFFFFC0]  }
0x117: {  	v12 =	vld [tilespmem:s19+$0xFFFFFFC0]  }
0x118: {  	v17 =	vld [tilespmem:s19+$0xFFFFFFD0]  }
0x119: {  	v18 =	vld [tilespmem:s19+$0xFFFFFFE0]  }
0x11a: {  	v19 =	vld [tilespmem:s19+$0xFFFFFFF0]  }
0x11b: {  	v20 =	vld [tilespmem:s19+$0x0]  }
0x11c: {  	v21 =	vld [tilespmem:s19+$0x10]  }
0x11d: {  	v22 =	vld [tilespmem:s19+$0x20]  }
0x11e: {  	[tilespmem:v9+s3+$0x0] =	vst.idx.add.f32.msk $0xffff, v12  }
0x11f: {  	[tilespmem:v10+s3+$0x0] =	vst.idx.add.f32.msk $0xffff, v17  }
.Ltmp1:
0x120: {  	[tilespmem:v11+s3+$0x0] =	vst.idx.add.f32.msk $0xffff, v18;
	(pc) =	sbr.rel @p1 .LBB2_5-.Ltmp1, $4  }
0x121: {  	[tilespmem:v13+s3+$0x0] =	vst.idx.add.f32.msk $0xffff, v19  }
0x122: {  	[tilespmem:v14+s3+$0x0] =	vst.idx.add.f32.msk $0xffff, v20  }
0x123: {  	[tilespmem:v15+s3+$0x0] =	vst.idx.add.f32.msk $0xffff, v21  }
0x124: {  	s20 =	sadd.s32 $0x100, s20;
	[tilespmem:v16+s3+$0x0] =	vst.idx.add.f32.msk $0xffff, v22  }
0x125: {  	p1 =	seq.s32 s15, $0x13  }
.Ltmp2:
0x126: {  	_ = 	snop;
	(pc) =	sbr.rel @p1 .LBB2_8-.Ltmp2, $3  }
0x127: {  	_ =	sdelay $0x1  }
0x128: {  	s19 =	sshll.u32 s15, $0x1  }
0x129: {  	s19 =	sadd.s32 $0x2, s19  }
0x12a: {  	s20 =	sshll.u32 s19, $0x10;
	s21 =	rddreg [dreg:$0x5]  }
0x12b: {  	s20 =	sor.u32 s21, s20  }
0x12c: {  	s26 =	sshrl.u32 s20, $0x2  }
0x12d: {  	s16 =	simm.s32 $0x4000;
	s26 =	sadd.s32 s26, s5  }
0x12e: {  	[tilespmem:s16], [sflag:$0x1] =	stream.linear.gather [hbm4b:s26+s3], $0x80, $0x38;
	[tilespmem:$0x6480] =	vst v63  }
0x12f: {  	s21 =	sadd.s32 $0x20, s26;
	s16 =	simm.s32 $0x4100  }
0x130: {  	[tilespmem:s16], [sflag:$0x1] =	stream.linear.gather [hbm4b:s21+s3], $0x80, $0x38;
	[tilespmem:$0x6480] =	vst v63  }
0x131: {  	s21 =	sadd.s32 $0x40, s26;
	s16 =	simm.s32 $0x4200  }
0x132: {  	[tilespmem:s16], [sflag:$0x1] =	stream.linear.gather [hbm4b:s21+s3], $0x80, $0x38;
	[tilespmem:$0x6480] =	vst v63  }
0x133: {  	s21 =	sadd.s32 $0x60, s26;
	s16 =	simm.s32 $0x4300  }
0x134: {  	[tilespmem:s16], [sflag:$0x1] =	stream.linear.gather [hbm4b:s21+s3], $0x80, $0x38;
	[tilespmem:$0x6480] =	vst v63  }
0x135: {  	s21 =	sadd.s32 $0x80, s26;
	s16 =	simm.s32 $0x4400  }
0x136: {  	[tilespmem:s16], [sflag:$0x1] =	stream.linear.gather [hbm4b:s21+s3], $0x80, $0x38;
	[tilespmem:$0x6480] =	vst v63  }
0x137: {  	s21 =	sadd.s32 $0xA0, s26;
	s16 =	simm.s32 $0x4500  }
0x138: {  	[tilespmem:s16], [sflag:$0x1] =	stream.linear.gather [hbm4b:s21+s3], $0x80, $0x38;
	[tilespmem:$0x6480] =	vst v63  }
0x139: {  	s21 =	sadd.s32 $0xC0, s26;
	s16 =	simm.s32 $0x4600  }
0x13a: {  	[tilespmem:s16], [sflag:$0x1] =	stream.linear.gather [hbm4b:s21+s3], $0x80, $0x38;
	[tilespmem:$0x6480] =	vst v63  }
0x13b: {  	s21 =	sadd.s32 $0xE0, s26;
	s16 =	simm.s32 $0x4700  }
0x13c: {  	[tilespmem:s16], [sflag:$0x1] =	stream.linear.gather [hbm4b:s21+s3], $0x80, $0x38;
	[tilespmem:$0x6480] =	vst v63  }
0x13d: {  	s21 =	sadd.s32 $0x100, s26;
	s16 =	simm.s32 $0x4800  }
0x13e: {  	[tilespmem:s16], [sflag:$0x1] =	stream.linear.gather [hbm4b:s21+s3], $0x80, $0x38;
	[tilespmem:$0x6480] =	vst v63  }
0x13f: {  	s21 =	sadd.s32 $0x120, s26;
	s16 =	simm.s32 $0x4900  }
0x140: {  	[tilespmem:s16], [sflag:$0x1] =	stream.linear.gather [hbm4b:s21+s3], $0x80, $0x38;
	[tilespmem:$0x6480] =	vst v63  }
0x141: {  	s21 =	sadd.s32 $0x140, s26;
	s16 =	simm.s32 $0x4A00  }
0x142: {  	[tilespmem:s16], [sflag:$0x1] =	stream.linear.gather [hbm4b:s21+s3], $0x80, $0x38;
	[tilespmem:$0x6480] =	vst v63  }
0x143: {  	s21 =	sadd.s32 $0x160, s26;
	s16 =	simm.s32 $0x4B00  }
0x144: {  	[tilespmem:s16], [sflag:$0x1] =	stream.linear.gather [hbm4b:s21+s3], $0x80, $0x38;
	[tilespmem:$0x6480] =	vst v63  }
0x145: {  	s21 =	sadd.s32 $0x180, s26;
	s16 =	simm.s32 $0x4C00  }
0x146: {  	[tilespmem:s16], [sflag:$0x1] =	stream.linear.gather [hbm4b:s21+s3], $0x80, $0x38;
	[tilespmem:$0x6480] =	vst v63  }
0x147: {  	s21 =	sadd.s32 $0x1A0, s26;
	s16 =	simm.s32 $0x4D00  }
0x148: {  	[tilespmem:s16], [sflag:$0x1] =	stream.linear.gather [hbm4b:s21+s3], $0x80, $0x38;
	[tilespmem:$0x6480] =	vst v63  }
0x149: {  	s21 =	sadd.s32 $0x1C0, s26;
	s16 =	simm.s32 $0x4E00  }
0x14a: {  	[tilespmem:s16], [sflag:$0x1] =	stream.linear.gather [hbm4b:s21+s3], $0x80, $0x38;
	[tilespmem:$0x6480] =	vst v63  }
0x14b: {  	s20 =	sshrl.u32 s20, $0x3;
	s16 =	sadd.s32 $0x1E0, s26;
	s26 =	simm.s32 $0x4F00  }
0x14c: {  	[tilespmem:s26], [sflag:$0x1] =	stream.linear.gather [hbm4b:s16+s3], $0x80, $0x38;
	[tilespmem:$0x6480] =	vst v63  }
0x14d: {  	s20 =	sadd.s32 s1, s20;
	s26 =	simm.s32 $0x5000  }
0x14e: {  	[tilespmem:s26], [sflag:$0x1] =	stream.linear.gather [hbm4b:s20+s3], $0x80, $0x38;
	[tilespmem:$0x6480] =	vst v63  }
0x14f: {  	s16 =	sadd.s32 $0x10, s20;
	s26 =	simm.s32 $0x5100  }
0x150: {  	[tilespmem:s26], [sflag:$0x1] =	stream.linear.gather [hbm4b:s16+s3], $0x80, $0x38;
	[tilespmem:$0x6480] =	vst v63  }
0x151: {  	s16 =	sadd.s32 $0x20, s20;
	s26 =	simm.s32 $0x5200  }
0x152: {  	[tilespmem:s26], [sflag:$0x1] =	stream.linear.gather [hbm4b:s16+s3], $0x80, $0x38;
	[tilespmem:$0x6480] =	vst v63  }
0x153: {  	s16 =	sadd.s32 $0x30, s20;
	s26 =	simm.s32 $0x5300  }
0x154: {  	[tilespmem:s26], [sflag:$0x1] =	stream.linear.gather [hbm4b:s16+s3], $0x80, $0x38;
	[tilespmem:$0x6480] =	vst v63  }
0x155: {  	s16 =	sadd.s32 $0x40, s20;
	s26 =	simm.s32 $0x5400  }
0x156: {  	[tilespmem:s26], [sflag:$0x1] =	stream.linear.gather [hbm4b:s16+s3], $0x80, $0x38;
	[tilespmem:$0x6480] =	vst v63  }
0x157: {  	s16 =	sadd.s32 $0x50, s20;
	s26 =	simm.s32 $0x5500  }
0x158: {  	[tilespmem:s26], [sflag:$0x1] =	stream.linear.gather [hbm4b:s16+s3], $0x80, $0x38;
	[tilespmem:$0x6480] =	vst v63  }
0x159: {  	s16 =	sadd.s32 $0x60, s20;
	s26 =	simm.s32 $0x5600  }
0x15a: {  	[tilespmem:s26], [sflag:$0x1] =	stream.linear.gather [hbm4b:s16+s3], $0x80, $0x38;
	[tilespmem:$0x6480] =	vst v63  }
0x15b: {  	s16 =	sadd.s32 $0x70, s20;
	s26 =	simm.s32 $0x5700  }
0x15c: {  	[tilespmem:s26], [sflag:$0x1] =	stream.linear.gather [hbm4b:s16+s3], $0x80, $0x38;
	[tilespmem:$0x6480] =	vst v63  }
0x15d: {  	s16 =	sadd.s32 $0x80, s20;
	s26 =	simm.s32 $0x5800  }
0x15e: {  	[tilespmem:s26], [sflag:$0x1] =	stream.linear.gather [hbm4b:s16+s3], $0x80, $0x38;
	[tilespmem:$0x6480] =	vst v63  }
0x15f: {  	s16 =	sadd.s32 $0x90, s20;
	s26 =	simm.s32 $0x5900  }
0x160: {  	[tilespmem:s26], [sflag:$0x1] =	stream.linear.gather [hbm4b:s16+s3], $0x80, $0x38;
	[tilespmem:$0x6480] =	vst v63  }
0x161: {  	s16 =	sadd.s32 $0xA0, s20;
	s26 =	simm.s32 $0x5A00  }
0x162: {  	[tilespmem:s26], [sflag:$0x1] =	stream.linear.gather [hbm4b:s16+s3], $0x80, $0x38;
	[tilespmem:$0x6480] =	vst v63  }
0x163: {  	s16 =	sadd.s32 $0xB0, s20;
	s26 =	simm.s32 $0x5B00  }
0x164: {  	[tilespmem:s26], [sflag:$0x1] =	stream.linear.gather [hbm4b:s16+s3], $0x80, $0x38;
	[tilespmem:$0x6480] =	vst v63  }
0x165: {  	s16 =	sadd.s32 $0xC0, s20;
	s26 =	simm.s32 $0x5C00  }
0x166: {  	[tilespmem:s26], [sflag:$0x1] =	stream.linear.gather [hbm4b:s16+s3], $0x80, $0x38;
	[tilespmem:$0x6480] =	vst v63  }
0x167: {  	s16 =	sadd.s32 $0xD0, s20  }
0x168: {  	[tilespmem:s22], [sflag:$0x1] =	stream.linear.gather [hbm4b:s16+s3], $0x80, $0x38;
	[tilespmem:$0x6480] =	vst v63  }
0x169: {  	s26 =	sadd.s32 $0xE0, s20  }
0x16a: {  	[tilespmem:s23], [sflag:$0x1] =	stream.linear.gather [hbm4b:s26+s3], $0x80, $0x38;
	[tilespmem:$0x6480] =	vst v63  }
0x16b: {  	s20 =	sadd.s32 $0xF0, s20  }
0x16c: {  	[tilespmem:s24], [sflag:$0x1] =	stream.linear.gather [hbm4b:s20+s3], $0x80, $0x38;
	[tilespmem:$0x6480] =	vst v63  }
.LBB2_8:
0x16d: {  	p2 =	sne.s32 s19, $0x28  }
.Ltmp3:
0x16e: {  	_ = 	snop;
	(pc) =	sbr.rel @p2 .LBB2_10-.Ltmp3, $1  }
0x16f: {  	_ =	sdelay $0x3  }
0x170: {  	s19 =	simm.s32 $0x4000  }
0x171: {  	[tilespmem:s19], [sflag:$0x1] =	stream.linear.gather [hbm4b:s11+s3], $0x80, $0x38;
	[tilespmem:$0x6480] =	vst v63  }
0x172: {  	s21 =	sadd.s32 $0x10, s11;
	s20 =	simm.s32 $0x4100  }
0x173: {  	[tilespmem:s20], [sflag:$0x1] =	stream.linear.gather [hbm4b:s21+s3], $0x80, $0x38;
	[tilespmem:$0x6480] =	vst v63  }
0x174: {  	s26 =	sadd.s32 $0x20, s11;
	s16 =	simm.s32 $0x4200  }
0x175: {  	[tilespmem:s16], [sflag:$0x1] =	stream.linear.gather [hbm4b:s26+s3], $0x80, $0x38;
	[tilespmem:$0x6480] =	vst v63  }
0x176: {  	s20 =	simm.s32 $0x4300;
	s16 =	sadd.s32 $0x30, s11  }
0x177: {  	[tilespmem:s20], [sflag:$0x1] =	stream.linear.gather [hbm4b:s16+s3], $0x80, $0x38;
	[tilespmem:$0x6480] =	vst v63  }
0x178: {  	s21 =	sadd.s32 $0x40, s11;
	s26 =	simm.s32 $0x4400  }
0x179: {  	[tilespmem:s26], [sflag:$0x1] =	stream.linear.gather [hbm4b:s21+s3], $0x80, $0x38;
	[tilespmem:$0x6480] =	vst v63  }
0x17a: {  	s16 =	sadd.s32 $0x50, s11;
	s20 =	simm.s32 $0x4500  }
0x17b: {  	[tilespmem:s20], [sflag:$0x1] =	stream.linear.gather [hbm4b:s16+s3], $0x80, $0x38;
	[tilespmem:$0x6480] =	vst v63  }
0x17c: {  	s21 =	sadd.s32 $0x60, s11;
	s26 =	simm.s32 $0x4600  }
0x17d: {  	[tilespmem:s26], [sflag:$0x1] =	stream.linear.gather [hbm4b:s21+s3], $0x80, $0x38;
	[tilespmem:$0x6480] =	vst v63  }
0x17e: {  	s16 =	sadd.s32 $0x70, s11;
	s20 =	simm.s32 $0x4700  }
0x17f: {  	[tilespmem:s20], [sflag:$0x1] =	stream.linear.gather [hbm4b:s16+s3], $0x80, $0x38;
	[tilespmem:$0x6480] =	vst v63  }
0x180: {  	s21 =	sadd.s32 $0x80, s11;
	s26 =	simm.s32 $0x4800  }
0x181: {  	[tilespmem:s26], [sflag:$0x1] =	stream.linear.gather [hbm4b:s21+s3], $0x80, $0x38;
	[tilespmem:$0x6480] =	vst v63  }
0x182: {  	s16 =	sadd.s32 $0x90, s11;
	s20 =	simm.s32 $0x4900  }
0x183: {  	[tilespmem:s20], [sflag:$0x1] =	stream.linear.gather [hbm4b:s16+s3], $0x80, $0x38;
	[tilespmem:$0x6480] =	vst v63  }
0x184: {  	s21 =	sadd.s32 $0xA0, s11;
	s26 =	simm.s32 $0x4A00  }
0x185: {  	[tilespmem:s26], [sflag:$0x1] =	stream.linear.gather [hbm4b:s21+s3], $0x80, $0x38;
	[tilespmem:$0x6480] =	vst v63  }
0x186: {  	s16 =	sadd.s32 $0xB0, s11;
	s20 =	simm.s32 $0x4B00  }
0x187: {  	[tilespmem:s20], [sflag:$0x1] =	stream.linear.gather [hbm4b:s16+s3], $0x80, $0x38;
	[tilespmem:$0x6480] =	vst v63  }
0x188: {  	s21 =	sadd.s32 $0xC0, s11;
	s26 =	simm.s32 $0x4C00  }
0x189: {  	[tilespmem:s26], [sflag:$0x1] =	stream.linear.gather [hbm4b:s21+s3], $0x80, $0x38;
	[tilespmem:$0x6480] =	vst v63  }
0x18a: {  	s16 =	sadd.s32 $0xD0, s11;
	s20 =	simm.s32 $0x4D00  }
0x18b: {  	[tilespmem:s20], [sflag:$0x1] =	stream.linear.gather [hbm4b:s16+s3], $0x80, $0x38;
	[tilespmem:$0x6480] =	vst v63  }
0x18c: {  	s21 =	sadd.s32 $0xE0, s11;
	s26 =	simm.s32 $0x4E00  }
0x18d: {  	[tilespmem:s26], [sflag:$0x1] =	stream.linear.gather [hbm4b:s21+s3], $0x80, $0x38;
	[tilespmem:$0x6480] =	vst v63  }
0x18e: {  	s20 =	sadd.s32 $0xF0, s11;
	s21 =	simm.s32 $0x4F00  }
0x18f: {  	[tilespmem:s21], [sflag:$0x1] =	stream.linear.gather [hbm4b:s20+s3], $0x80, $0x38;
	[tilespmem:$0x6480] =	vst v63  }
0x190: {  	s26 =	simm.s32 $0x5000  }
0x191: {  	[tilespmem:s26], [sflag:$0x1] =	stream.linear.gather [hbm4b:s12+s3], $0x80, $0x38;
	[tilespmem:$0x6480] =	vst v63  }
0x192: {  	s16 =	sadd.s32 $0x10, s12;
	s20 =	simm.s32 $0x5100  }
0x193: {  	[tilespmem:s20], [sflag:$0x1] =	stream.linear.gather [hbm4b:s16+s3], $0x80, $0x38;
	[tilespmem:$0x6480] =	vst v63  }
0x194: {  	s21 =	sadd.s32 $0x20, s12;
	s26 =	simm.s32 $0x5200  }
0x195: {  	[tilespmem:s26], [sflag:$0x1] =	stream.linear.gather [hbm4b:s21+s3], $0x80, $0x38;
	[tilespmem:$0x6480] =	vst v63  }
0x196: {  	s16 =	sadd.s32 $0x30, s12;
	s20 =	simm.s32 $0x5300  }
0x197: {  	[tilespmem:s20], [sflag:$0x1] =	stream.linear.gather [hbm4b:s16+s3], $0x80, $0x38;
	[tilespmem:$0x6480] =	vst v63  }
0x198: {  	s21 =	sadd.s32 $0x40, s12;
	s26 =	simm.s32 $0x5400  }
0x199: {  	[tilespmem:s26], [sflag:$0x1] =	stream.linear.gather [hbm4b:s21+s3], $0x80, $0x38;
	[tilespmem:$0x6480] =	vst v63  }
0x19a: {  	s16 =	sadd.s32 $0x50, s12;
	s20 =	simm.s32 $0x5500  }
0x19b: {  	[tilespmem:s20], [sflag:$0x1] =	stream.linear.gather [hbm4b:s16+s3], $0x80, $0x38;
	[tilespmem:$0x6480] =	vst v63  }
0x19c: {  	s21 =	sadd.s32 $0x60, s12;
	s26 =	simm.s32 $0x5600  }
0x19d: {  	[tilespmem:s26], [sflag:$0x1] =	stream.linear.gather [hbm4b:s21+s3], $0x80, $0x38;
	[tilespmem:$0x6480] =	vst v63  }
0x19e: {  	s16 =	sadd.s32 $0x70, s12;
	s20 =	simm.s32 $0x5700  }
0x19f: {  	[tilespmem:s20], [sflag:$0x1] =	stream.linear.gather [hbm4b:s16+s3], $0x80, $0x38;
	[tilespmem:$0x6480] =	vst v63  }
0x1a0: {  	s21 =	sadd.s32 $0x80, s12;
	s26 =	simm.s32 $0x5800  }
0x1a1: {  	[tilespmem:s26], [sflag:$0x1] =	stream.linear.gather [hbm4b:s21+s3], $0x80, $0x38;
	[tilespmem:$0x6480] =	vst v63  }
0x1a2: {  	s16 =	sadd.s32 $0x90, s12;
	s20 =	simm.s32 $0x5900  }
0x1a3: {  	[tilespmem:s20], [sflag:$0x1] =	stream.linear.gather [hbm4b:s16+s3], $0x80, $0x38;
	[tilespmem:$0x6480] =	vst v63  }
0x1a4: {  	s21 =	sadd.s32 $0xA0, s12;
	s26 =	simm.s32 $0x5A00  }
0x1a5: {  	[tilespmem:s26], [sflag:$0x1] =	stream.linear.gather [hbm4b:s21+s3], $0x80, $0x38;
	[tilespmem:$0x6480] =	vst v63  }
0x1a6: {  	s16 =	sadd.s32 $0xB0, s12;
	s20 =	simm.s32 $0x5B00  }
0x1a7: {  	[tilespmem:s20], [sflag:$0x1] =	stream.linear.gather [hbm4b:s16+s3], $0x80, $0x38;
	[tilespmem:$0x6480] =	vst v63  }
0x1a8: {  	s21 =	sadd.s32 $0xC0, s12;
	s26 =	simm.s32 $0x5C00  }
0x1a9: {  	[tilespmem:s26], [sflag:$0x1] =	stream.linear.gather [hbm4b:s21+s3], $0x80, $0x38;
	[tilespmem:$0x6480] =	vst v63  }
0x1aa: {  	s20 =	sadd.s32 $0xD0, s12  }
0x1ab: {  	[tilespmem:s22], [sflag:$0x1] =	stream.linear.gather [hbm4b:s20+s3], $0x80, $0x38;
	[tilespmem:$0x6480] =	vst v63  }
0x1ac: {  	s21 =	sadd.s32 $0xE0, s12  }
0x1ad: {  	[tilespmem:s23], [sflag:$0x1] =	stream.linear.gather [hbm4b:s21+s3], $0x80, $0x38;
	[tilespmem:$0x6480] =	vst v63  }
0x1ae: {  	s26 =	sadd.s32 $0xF0, s12  }
0x1af: {  	[tilespmem:s24], [sflag:$0x1] =	stream.linear.gather [hbm4b:s26+s3], $0x80, $0x38;
	[tilespmem:$0x6480] =	vst v63  }
.LBB2_10:
0x1b0: {  	_ =	swait.ge [sflag:s18], $0x800  }
0x1b1: {  	[sflag:s18] =	ssyncset.done $0x0  }
0x1b2: {  	[sflag:s18] =	ssyncadd.s32 $0xFFFFF800  }
0x1b3: {  	_ =	swait.ge [sflag:s18], $0x800  }
0x1b4: {  	[sflag:s18] =	ssyncset.done $0x0  }
0x1b5: {  	s20 =	simm.s32 $0x40F0;
	[sflag:s18] =	ssyncadd.s32 $0xFFFFF800  }
0x1b6: {  	v9 =	vld [tilespmem:s20+$0x0]  }
0x1b7: {  	v10 =	vld [tilespmem:s20+$0xFFFFFFA0]  }
0x1b8: {  	s19 =	simm.s32 $0x50F0;
	v11 =	vld [tilespmem:s20+$0xFFFFFFB0]  }
0x1b9: {  	v12 =	vld [tilespmem:s19+$0x0]  }
0x1ba: {  	v13 =	vld [tilespmem:s20+$0xFFFFFFC0]  }
0x1bb: {  	v14 =	vld [tilespmem:s20+$0xFFFFFFD0]  }
0x1bc: {  	v15 =	vld [tilespmem:s20+$0xFFFFFFE0]  }
0x1bd: {  	v16 =	vld [tilespmem:s20+$0xFFFFFFF0]  }
0x1be: {  	v63 =	vld [tilespmem:s19+$0xFFFFFF90]  }
0x1bf: {  	v17 =	vld [tilespmem:s19+$0xFFFFFFA0]  }
0x1c0: {  	v18 =	vld [tilespmem:s19+$0xFFFFFFB0]  }
0x1c1: {  	v19 =	vld [tilespmem:s19+$0xFFFFFFC0]  }
0x1c2: {  	v20 =	vld [tilespmem:s19+$0xFFFFFFD0]  }
0x1c3: {  	v21 =	vld [tilespmem:s19+$0xFFFFFFE0]  }
0x1c4: {  	[tilespmem:v9+s3+$0x0] =	vst.idx.add.f32.msk $0xffff, v12  }
0x1c5: {  	v9 =	vld [tilespmem:s20+$0xFFFFFF90]  }
0x1c6: {  	v22 =	vld [tilespmem:s19+$0xFFFFFFF0]  }
0x1c7: {  	[tilespmem:v10+s3+$0x0] =	vst.idx.add.f32.msk $0xffff, v17  }
0x1c8: {  	[tilespmem:v11+s3+$0x0] =	vst.idx.add.f32.msk $0xffff, v18  }
0x1c9: {  	[tilespmem:v13+s3+$0x0] =	vst.idx.add.f32.msk $0xffff, v19  }
0x1ca: {  	[tilespmem:v14+s3+$0x0] =	vst.idx.add.f32.msk $0xffff, v20  }
0x1cb: {  	[tilespmem:v15+s3+$0x0] =	vst.idx.add.f32.msk $0xffff, v21  }
0x1cc: {  	[tilespmem:v16+s3+$0x0] =	vst.idx.add.f32.msk $0xffff, v22  }
0x1cd: {  	s26 =	simm.s32 $0x0;
	s20 =	simm.s32 $0x41F0;
	[tilespmem:v9+s3+$0x0] =	vst.idx.add.f32.msk $0xffff, v63  }
.LBB2_11:
0x1ce: {  	v9 =	vld [tilespmem:s20+$0x0];
	s26 =	sadd.s32 $0x80, s26  }
0x1cf: {  	v10 =	vld [tilespmem:s20+$0xFFFFFFA0];
	p2 =	slt.u32 s26, $0x780  }
0x1d0: {  	s19 =	sadd.s32 $0x100, s19;
	v11 =	vld [tilespmem:s20+$0xFFFFFFB0]  }
0x1d1: {  	v12 =	vld [tilespmem:s19+$0x0]  }
0x1d2: {  	v13 =	vld [tilespmem:s20+$0xFFFFFFC0]  }
0x1d3: {  	v14 =	vld [tilespmem:s20+$0xFFFFFFD0]  }
0x1d4: {  	v15 =	vld [tilespmem:s20+$0xFFFFFFE0]  }
0x1d5: {  	v16 =	vld [tilespmem:s20+$0xFFFFFFF0]  }
0x1d6: {  	[tilespmem:v9+s3+$0x0] =	vst.idx.add.f32.msk $0xffff, v12  }
0x1d7: {  	v9 =	vld [tilespmem:s20+$0xFFFFFF90]  }
0x1d8: {  	v12 =	vld [tilespmem:s19+$0xFFFFFF90]  }
0x1d9: {  	v17 =	vld [tilespmem:s19+$0xFFFFFFA0]  }
0x1da: {  	v18 =	vld [tilespmem:s19+$0xFFFFFFB0]  }
0x1db: {  	v19 =	vld [tilespmem:s19+$0xFFFFFFC0]  }
0x1dc: {  	v20 =	vld [tilespmem:s19+$0xFFFFFFD0]  }
0x1dd: {  	v21 =	vld [tilespmem:s19+$0xFFFFFFE0]  }
0x1de: {  	v22 =	vld [tilespmem:s19+$0xFFFFFFF0]  }
0x1df: {  	[tilespmem:v9+s3+$0x0] =	vst.idx.add.f32.msk $0xffff, v12  }
0x1e0: {  	[tilespmem:v10+s3+$0x0] =	vst.idx.add.f32.msk $0xffff, v17  }
.Ltmp4:
0x1e1: {  	[tilespmem:v11+s3+$0x0] =	vst.idx.add.f32.msk $0xffff, v18;
	(pc) =	sbr.rel @p2 .LBB2_11-.Ltmp4, $4  }
0x1e2: {  	[tilespmem:v13+s3+$0x0] =	vst.idx.add.f32.msk $0xffff, v19  }
0x1e3: {  	[tilespmem:v14+s3+$0x0] =	vst.idx.add.f32.msk $0xffff, v20  }
0x1e4: {  	[tilespmem:v15+s3+$0x0] =	vst.idx.add.f32.msk $0xffff, v21  }
0x1e5: {  	s20 =	sadd.s32 $0x100, s20;
	[tilespmem:v16+s3+$0x0] =	vst.idx.add.f32.msk $0xffff, v22  }
.Ltmp5:
0x1e6: {  	(pc) =	sbr.rel @p1 .LBB2_14-.Ltmp5, $1  }
0x1e7: {  	_ =	sdelay $0x3  }
0x1e8: {  	s19 =	sshll.u32 s15, $0x11  }
0x1e9: {  	s19 =	sadd.s32 s10, s19  }
0x1ea: {  	s20 =	sshrl.u32 s19, $0x2  }
0x1eb: {  	s16 =	simm.s32 $0x4080;
	s20 =	sadd.s32 s20, s5  }
0x1ec: {  	[tilespmem:s16], [sflag:$0x2] =	stream.linear.gather [hbm4b:s20+s3], $0x80, $0x38;
	[tilespmem:$0x6480] =	vst v63  }
0x1ed: {  	s26 =	simm.s32 $0x4180;
	s21 =	sadd.s32 $0x20, s20  }
0x1ee: {  	[tilespmem:s26], [sflag:$0x2] =	stream.linear.gather [hbm4b:s21+s3], $0x80, $0x38;
	[tilespmem:$0x6480] =	vst v63  }
0x1ef: {  	s16 =	sadd.s32 $0x40, s20;
	s26 =	simm.s32 $0x4280  }
0x1f0: {  	[tilespmem:s26], [sflag:$0x2] =	stream.linear.gather [hbm4b:s16+s3], $0x80, $0x38;
	[tilespmem:$0x6480] =	vst v63  }
0x1f1: {  	s16 =	sadd.s32 $0x60, s20;
	s26 =	simm.s32 $0x4380  }
0x1f2: {  	[tilespmem:s26], [sflag:$0x2] =	stream.linear.gather [hbm4b:s16+s3], $0x80, $0x38;
	[tilespmem:$0x6480] =	vst v63  }
0x1f3: {  	s16 =	sadd.s32 $0x80, s20;
	s26 =	simm.s32 $0x4480  }
0x1f4: {  	[tilespmem:s26], [sflag:$0x2] =	stream.linear.gather [hbm4b:s16+s3], $0x80, $0x38;
	[tilespmem:$0x6480] =	vst v63  }
0x1f5: {  	s16 =	sadd.s32 $0xA0, s20;
	s26 =	simm.s32 $0x4580  }
0x1f6: {  	[tilespmem:s26], [sflag:$0x2] =	stream.linear.gather [hbm4b:s16+s3], $0x80, $0x38;
	[tilespmem:$0x6480] =	vst v63  }
0x1f7: {  	s16 =	sadd.s32 $0xC0, s20;
	s26 =	simm.s32 $0x4680  }
0x1f8: {  	[tilespmem:s26], [sflag:$0x2] =	stream.linear.gather [hbm4b:s16+s3], $0x80, $0x38;
	[tilespmem:$0x6480] =	vst v63  }
0x1f9: {  	s16 =	sadd.s32 $0xE0, s20;
	s26 =	simm.s32 $0x4780  }
0x1fa: {  	[tilespmem:s26], [sflag:$0x2] =	stream.linear.gather [hbm4b:s16+s3], $0x80, $0x38;
	[tilespmem:$0x6480] =	vst v63  }
0x1fb: {  	s16 =	sadd.s32 $0x100, s20;
	s26 =	simm.s32 $0x4880  }
0x1fc: {  	[tilespmem:s26], [sflag:$0x2] =	stream.linear.gather [hbm4b:s16+s3], $0x80, $0x38;
	[tilespmem:$0x6480] =	vst v63  }
0x1fd: {  	s16 =	sadd.s32 $0x120, s20;
	s26 =	simm.s32 $0x4980  }
0x1fe: {  	[tilespmem:s26], [sflag:$0x2] =	stream.linear.gather [hbm4b:s16+s3], $0x80, $0x38;
	[tilespmem:$0x6480] =	vst v63  }
0x1ff: {  	s16 =	sadd.s32 $0x140, s20;
	s26 =	simm.s32 $0x4A80  }
0x200: {  	[tilespmem:s26], [sflag:$0x2] =	stream.linear.gather [hbm4b:s16+s3], $0x80, $0x38;
	[tilespmem:$0x6480] =	vst v63  }
0x201: {  	s16 =	sadd.s32 $0x160, s20;
	s26 =	simm.s32 $0x4B80  }
0x202: {  	[tilespmem:s26], [sflag:$0x2] =	stream.linear.gather [hbm4b:s16+s3], $0x80, $0x38;
	[tilespmem:$0x6480] =	vst v63  }
0x203: {  	s16 =	sadd.s32 $0x180, s20;
	s26 =	simm.s32 $0x4C80  }
0x204: {  	[tilespmem:s26], [sflag:$0x2] =	stream.linear.gather [hbm4b:s16+s3], $0x80, $0x38;
	[tilespmem:$0x6480] =	vst v63  }
0x205: {  	s16 =	sadd.s32 $0x1A0, s20;
	s26 =	simm.s32 $0x4D80  }
0x206: {  	[tilespmem:s26], [sflag:$0x2] =	stream.linear.gather [hbm4b:s16+s3], $0x80, $0x38;
	[tilespmem:$0x6480] =	vst v63  }
0x207: {  	s16 =	sadd.s32 $0x1C0, s20;
	s26 =	simm.s32 $0x4E80  }
0x208: {  	[tilespmem:s26], [sflag:$0x2] =	stream.linear.gather [hbm4b:s16+s3], $0x80, $0x38;
	[tilespmem:$0x6480] =	vst v63  }
0x209: {  	s19 =	sshrl.u32 s19, $0x3;
	s21 =	simm.s32 $0x4F80;
	s20 =	sadd.s32 $0x1E0, s20  }
0x20a: {  	[tilespmem:s21], [sflag:$0x2] =	stream.linear.gather [hbm4b:s20+s3], $0x80, $0x38;
	[tilespmem:$0x6480] =	vst v63  }
0x20b: {  	s19 =	sadd.s32 s1, s19;
	s26 =	simm.s32 $0x5080  }
0x20c: {  	[tilespmem:s26], [sflag:$0x2] =	stream.linear.gather [hbm4b:s19+s3], $0x80, $0x38;
	[tilespmem:$0x6480] =	vst v63  }
0x20d: {  	s16 =	sadd.s32 $0x10, s19;
	s21 =	simm.s32 $0x5180  }
0x20e: {  	[tilespmem:s21], [sflag:$0x2] =	stream.linear.gather [hbm4b:s16+s3], $0x80, $0x38;
	[tilespmem:$0x6480] =	vst v63  }
0x20f: {  	s26 =	sadd.s32 $0x20, s19  }
0x210: {  	[tilespmem:s31], [sflag:$0x2] =	stream.linear.gather [hbm4b:s26+s3], $0x80, $0x38;
	[tilespmem:$0x6480] =	vst v63  }
0x211: {  	s16 =	sadd.s32 $0x30, s19  }
0x212: {  	[tilespmem:s17], [sflag:$0x2] =	stream.linear.gather [hbm4b:s16+s3], $0x80, $0x38;
	[tilespmem:$0x6480] =	vst v63  }
0x213: {  	s21 =	sadd.s32 $0x40, s19  }
0x214: {  	[tilespmem:s28], [sflag:$0x2] =	stream.linear.gather [hbm4b:s21+s3], $0x80, $0x38;
	[tilespmem:$0x6480] =	vst v63  }
0x215: {  	s26 =	sadd.s32 $0x50, s19  }
0x216: {  	[tilespmem:s2], [sflag:$0x2] =	stream.linear.gather [hbm4b:s26+s3], $0x80, $0x38;
	[tilespmem:$0x6480] =	vst v63  }
0x217: {  	s16 =	sadd.s32 $0x60, s19  }
0x218: {  	[tilespmem:s0], [sflag:$0x2] =	stream.linear.gather [hbm4b:s16+s3], $0x80, $0x38;
	[tilespmem:$0x6480] =	vst v63  }
0x219: {  	s21 =	sadd.s32 $0x70, s19  }
0x21a: {  	[tilespmem:s6], [sflag:$0x2] =	stream.linear.gather [hbm4b:s21+s3], $0x80, $0x38;
	[tilespmem:$0x6480] =	vst v63  }
0x21b: {  	s26 =	sadd.s32 $0x80, s19  }
0x21c: {  	[tilespmem:s29], [sflag:$0x2] =	stream.linear.gather [hbm4b:s26+s3], $0x80, $0x38;
	[tilespmem:$0x6480] =	vst v63  }
0x21d: {  	s16 =	sadd.s32 $0x90, s19  }
0x21e: {  	[tilespmem:s7], [sflag:$0x2] =	stream.linear.gather [hbm4b:s16+s3], $0x80, $0x38;
	[tilespmem:$0x6480] =	vst v63  }
0x21f: {  	s21 =	sadd.s32 $0xA0, s19  }
0x220: {  	[tilespmem:s13], [sflag:$0x2] =	stream.linear.gather [hbm4b:s21+s3], $0x80, $0x38;
	[tilespmem:$0x6480] =	vst v63  }
0x221: {  	s26 =	sadd.s32 $0xB0, s19  }
0x222: {  	[tilespmem:s8], [sflag:$0x2] =	stream.linear.gather [hbm4b:s26+s3], $0x80, $0x38;
	[tilespmem:$0x6480] =	vst v63  }
0x223: {  	s16 =	sadd.s32 $0xC0, s19  }
0x224: {  	[tilespmem:s25], [sflag:$0x2] =	stream.linear.gather [hbm4b:s16+s3], $0x80, $0x38;
	[tilespmem:$0x6480] =	vst v63  }
0x225: {  	s21 =	sadd.s32 $0xD0, s19  }
0x226: {  	[tilespmem:s9], [sflag:$0x2] =	stream.linear.gather [hbm4b:s21+s3], $0x80, $0x38;
	[tilespmem:$0x6480] =	vst v63  }
.Ltmp6:
0x227: {  	_ = 	snop;
	(pc) =	sbr.rel .LBB2_4-.Ltmp6, $4  }
0x228: {  	s26 =	sadd.s32 $0xE0, s19  }
0x229: {  	[tilespmem:s14], [sflag:$0x2] =	stream.linear.gather [hbm4b:s26+s3], $0x80, $0x38;
	[tilespmem:$0x6480] =	vst v63  }
0x22a: {  	s15 =	sadd.s32 $0x1, s15;
	s19 =	sadd.s32 $0xF0, s19  }
0x22b: {  	[tilespmem:s4], [sflag:$0x2] =	stream.linear.gather [hbm4b:s19+s3], $0x80, $0x38;
	[tilespmem:$0x6480] =	vst v63  }
.LBB2_14:
0x22c: {  	_ =	swait.ge [sflag:s30], $0x800  }
0x22d: {  	[sflag:s30] =	ssyncset.done $0x0  }
0x22e: {  	[sflag:s30] =	ssyncadd.s32 $0xFFFFF800  }
0x22f: {  	_ =	swait.ge [sflag:s30], $0x800  }
0x230: {  	[sflag:s30] =	ssyncset.done $0x0  }
0x231: {  	s19 =	simm.s32 $0x4040;
	[sflag:s30] =	ssyncadd.s32 $0xFFFFF800  }
0x232: {  	v9 =	vld [tilespmem:s19+$0x30]  }
0x233: {  	v10 =	vld [tilespmem:s19+$0xFFFFFFD0]  }
0x234: {  	s15 =	simm.s32 $0x5040;
	v11 =	vld [tilespmem:s19+$0xFFFFFFE0]  }
0x235: {  	v12 =	vld [tilespmem:s15+$0x30]  }
0x236: {  	v13 =	vld [tilespmem:s19+$0xFFFFFFF0]  }
0x237: {  	v14 =	vld [tilespmem:s19+$0x0]  }
0x238: {  	v15 =	vld [tilespmem:s19+$0x10]  }
0x239: {  	v16 =	vld [tilespmem:s19+$0x20]  }
0x23a: {  	v63 =	vld [tilespmem:s15+$0xFFFFFFC0]  }
0x23b: {  	v17 =	vld [tilespmem:s15+$0xFFFFFFD0]  }
0x23c: {  	v18 =	vld [tilespmem:s15+$0xFFFFFFE0]  }
0x23d: {  	v19 =	vld [tilespmem:s15+$0xFFFFFFF0]  }
0x23e: {  	v20 =	vld [tilespmem:s15+$0x0]  }
0x23f: {  	v21 =	vld [tilespmem:s15+$0x10]  }
0x240: {  	[tilespmem:v9+s3+$0x0] =	vst.idx.add.f32.msk $0xffff, v12  }
0x241: {  	v9 =	vld [tilespmem:s19+$0xFFFFFFC0]  }
0x242: {  	v22 =	vld [tilespmem:s15+$0x20]  }
0x243: {  	[tilespmem:v10+s3+$0x0] =	vst.idx.add.f32.msk $0xffff, v17  }
0x244: {  	[tilespmem:v11+s3+$0x0] =	vst.idx.add.f32.msk $0xffff, v18  }
0x245: {  	[tilespmem:v13+s3+$0x0] =	vst.idx.add.f32.msk $0xffff, v19  }
0x246: {  	[tilespmem:v14+s3+$0x0] =	vst.idx.add.f32.msk $0xffff, v20  }
0x247: {  	[tilespmem:v15+s3+$0x0] =	vst.idx.add.f32.msk $0xffff, v21  }
0x248: {  	[tilespmem:v16+s3+$0x0] =	vst.idx.add.f32.msk $0xffff, v22  }
0x249: {  	s20 =	simm.s32 $0x4140;
	s19 =	simm.s32 $0x0;
	[tilespmem:v9+s3+$0x0] =	vst.idx.add.f32.msk $0xffff, v63  }
.LBB2_15:
0x24a: {  	v9 =	vld [tilespmem:s20+$0x30];
	s19 =	sadd.s32 $0x80, s19  }
0x24b: {  	v10 =	vld [tilespmem:s20+$0xFFFFFFD0];
	p1 =	slt.u32 s19, $0x780  }
0x24c: {  	s15 =	sadd.s32 $0x100, s15;
	v11 =	vld [tilespmem:s20+$0xFFFFFFE0]  }
0x24d: {  	v12 =	vld [tilespmem:s15+$0x30]  }
0x24e: {  	v13 =	vld [tilespmem:s20+$0xFFFFFFF0]  }
0x24f: {  	v14 =	vld [tilespmem:s20+$0x0]  }
0x250: {  	v15 =	vld [tilespmem:s20+$0x10]  }
0x251: {  	v16 =	vld [tilespmem:s20+$0x20]  }
0x252: {  	[tilespmem:v9+s3+$0x0] =	vst.idx.add.f32.msk $0xffff, v12  }
0x253: {  	v9 =	vld [tilespmem:s20+$0xFFFFFFC0]  }
0x254: {  	v12 =	vld [tilespmem:s15+$0xFFFFFFC0]  }
0x255: {  	v17 =	vld [tilespmem:s15+$0xFFFFFFD0]  }
0x256: {  	v18 =	vld [tilespmem:s15+$0xFFFFFFE0]  }
0x257: {  	v19 =	vld [tilespmem:s15+$0xFFFFFFF0]  }
0x258: {  	v20 =	vld [tilespmem:s15+$0x0]  }
0x259: {  	v21 =	vld [tilespmem:s15+$0x10]  }
0x25a: {  	v22 =	vld [tilespmem:s15+$0x20]  }
0x25b: {  	[tilespmem:v9+s3+$0x0] =	vst.idx.add.f32.msk $0xffff, v12  }
0x25c: {  	[tilespmem:v10+s3+$0x0] =	vst.idx.add.f32.msk $0xffff, v17  }
.Ltmp7:
0x25d: {  	[tilespmem:v11+s3+$0x0] =	vst.idx.add.f32.msk $0xffff, v18;
	(pc) =	sbr.rel @p1 .LBB2_15-.Ltmp7, $4  }
0x25e: {  	[tilespmem:v13+s3+$0x0] =	vst.idx.add.f32.msk $0xffff, v19  }
0x25f: {  	[tilespmem:v14+s3+$0x0] =	vst.idx.add.f32.msk $0xffff, v20  }
0x260: {  	[tilespmem:v15+s3+$0x0] =	vst.idx.add.f32.msk $0xffff, v21  }
0x261: {  	s20 =	sadd.s32 $0x100, s20;
	[tilespmem:v16+s3+$0x0] =	vst.idx.add.f32.msk $0xffff, v22  }
0x262: {  	[bflag:$0x0] =	sbarrier.arrive $0xFFFF;
	s15 =	simm.s32 $0x80  }
0x263: {  	s16 =	simm.s32 $0x6000;
	s19 =	simm.s32 $0x3;
	s20 =	rddreg [dreg:$0x3]  }
0x264: {  	[spmem:s20] =	stream.indirect.scatter.add.f32 [tilespmem:s3], [sflag:$0x3], $0x80, s16, s15, $0xb8;
	[tilespmem:$0x6480] =	vst v63  }
0x265: {  	_ =	swait.ge [sflag:s19], $0x4000  }
0x266: {  	[sflag:s19] =	ssyncset.done $0x0  }
0x267: {  	[sflag:s19] =	ssyncadd.s32 $0xFFFFC000  }
0x268: {  	[bflag:$0x0] =	sbarrier.arrive $0xFFFF  }
0x269: {  	s15 =	sshrl.u32 @!p0 s20, $0x3;
	s19 =	simm.s32 @!p0 $0x1C03;
	s21 =	rddreg [dreg:$0xa]  }
0x26a: {  	[hbm:s21], [sflag:s19] =	dma.local @!p0 [spmem:s15], $0x800  }
0x26b: {  	s15 =	simm.s32 @!p0 $0x3  }
0x26c: {  	_ =	swait.ge @!p0 [sflag:s15], $0x800  }
0x26d: {  	s21 =	sld [smem:$0x7D5];
	_ =	sdelay $0x2  }
0x26e: {  	s26 =	rddreg [dreg:$0xb];
	s16 =	sadd.s32 $0x1, s21  }
0x26f: {  	p1 =	sne.s32 s16, s26  }
.Ltmp8:
0x270: {  	_ = 	snop;
	(pc) =	sbr.rel @p1 .LBB2_1-.Ltmp8, $3  }
0x271: {  	_ =	sdelay $0x1  }
0x272: {  	[sflag:s15] =	ssyncset.done @!p0 $0x0  }
0x273: {  	[sflag:s15] =	ssyncadd.s32 @!p0 $0xFFFFF800  }
0x274: {  	_ =	sfence.sel $0x180000  }
0x275: {  	[bflag:$0x0] =	sbarrier.arrive $0xFFFF  }
0x276: {  	_ =	strace $0x90000047  }
0x277: {  	[bflag:$0x2] =	sbarrier.arrive $0xFFFF  }
0x278: {  	s0 =	rddreg [dreg:$0x4]  }
0x279: {  	s0 =	sadd.s32 @!p0 $0x100000, s0  }
0x27a: {  	[sflag:s0] =	ssyncadd.tile.s32 @!p0 $0x1;
	_ =	shalt  }
.Lfunc_end2:
_tile_overlayer_lowered:
.L_overlay_start_2:
0x27b: {  	(tag) =	ssettag $0x2  }
0x27c: {  	s0 =	rddreg [dreg:$0x0];
	s2 =	stileid.u32  }
0x27d: {  	s1 =	rddreg [dreg:$0x1];
	p0 =	sne.s32 s2, $0x0  }
0x27e: {  	s3 =	rddreg [dreg:$0x2];
	[bflag:$0x3] =	sbarrier.arrive $0xFFFF;
	s2 =	simm.s32 @!p0 $0x1C03  }
0x27f: {  	[timem:s3], [sflag:s2] =	dma.local @!p0 [hbm:s0], s1  }
0x280: {  	s0 =	simm.s32 @!p0 $0x3  }
0x281: {  	_ =	swait.ge @!p0 [sflag:s0], s1  }
0x282: {  	s1 =	ssub.s32 @!p0 $0x0, s1;
	[sflag:s0] =	ssyncset.done @!p0 $0x0  }
0x283: {  	[sflag:s0] =	ssyncadd.s32 @!p0 s1  }
0x284: {  	[bflag:$0x3] =	sbarrier.arrive $0xFFFF  }
0x285: {  	_ =	shalt  }

</sc_bundles>
